<compile_context>
chip_gen: v7x
topology: tpu7x:2x2x1
jax: 0.10.2.dev20260603
libtpu: 0.0.44.dev20260713+nightly
codegen_flags: <defaults>
</compile_context>

<pallas_src>
import functools

import jax
import jax.numpy as jnp
from jax import lax
from jax.experimental import pallas as pl
from jax.experimental.pallas import tpu as pltpu
from jax.experimental.pallas import tpu_sc as plsc

NC = 2
NS = 16
N_PAD = 10240
ROWS_PER_TILE = N_PAD // NS
E_PAD = 163840
CHUNK = 128
RB = 256
GRID = N_PAD // RB
DH = 256
DHH = DH // NC
DO_PAD = 16


def _sc_mesh():
    return plsc.VectorSubcoreMesh(core_axis_name="c", subcore_axis_name="s")



NCHD = E_PAD // (NC * NS) // CHUNK


def _deg_body(dst_hbm, ones_hbm, zeros_hbm, out_hbm, dst_v, ones_v, acc):
    cid = lax.axis_index("c")
    sid = lax.axis_index("s")
    r0 = sid * ROWS_PER_TILE
    for i in range(ROWS_PER_TILE // CHUNK):
        pltpu.sync_copy(zeros_hbm, acc.at[pl.ds(r0 + i * CHUNK, CHUNK)])
    pltpu.sync_copy(ones_hbm, ones_v)
    plsc.subcore_barrier()
    e_per_tile = E_PAD // (NC * NS)
    base = cid * (E_PAD // NC) + sid * e_per_tile

    def body(k, carry):
        pltpu.sync_copy(dst_hbm.at[pl.ds(base + k * CHUNK, CHUNK)], dst_v)
        pltpu.sync_copy(ones_v, acc.at[dst_v], add=True)
        return carry

    lax.fori_loop(0, NCHD, body, 0)
    plsc.subcore_barrier()
    pltpu.sync_copy(acc.at[pl.ds(r0, ROWS_PER_TILE)],
                    out_hbm.at[cid, pl.ds(r0, ROWS_PER_TILE)])


_deg_call = functools.partial(
    pl.kernel,
    out_type=jax.ShapeDtypeStruct((NC, N_PAD, DHH), jnp.float32),
    mesh=_sc_mesh(),
    scratch_types=[
        pltpu.VMEM((CHUNK,), jnp.int32),
        pltpu.VMEM((CHUNK, DHH), jnp.float32),
        pltpu.VMEM_SHARED((N_PAD, DHH), jnp.float32),
    ],
)(_deg_body)


def _agg1_body(hs_hbm, srcs_hbm, dst_hbm, zeros_hbm, out_hbm,
               src_v, dst_v, rows_v, acc, sem):
    cid = lax.axis_index("c")
    sid = lax.axis_index("s")
    r0 = sid * ROWS_PER_TILE
    for i in range(ROWS_PER_TILE // CHUNK):
        pltpu.sync_copy(zeros_hbm, acc.at[pl.ds(r0 + i * CHUNK, CHUNK)])
    plsc.subcore_barrier()
    e_per_tile = E_PAD // NS
    base = sid * e_per_tile

    def body(k, carry):
        b = base + k * CHUNK
        pltpu.sync_copy(srcs_hbm.at[cid, pl.ds(b, CHUNK)], src_v)
        pltpu.sync_copy(dst_hbm.at[pl.ds(b, CHUNK)], dst_v)
        pltpu.async_copy(hs_hbm.at[src_v], rows_v, sem).wait()
        pltpu.sync_copy(rows_v, acc.at[dst_v], add=True)
        return carry

    lax.fori_loop(0, E_PAD // NS // CHUNK, body, 0)
    plsc.subcore_barrier()
    pltpu.sync_copy(acc.at[pl.ds(r0, ROWS_PER_TILE)],
                    out_hbm.at[cid, pl.ds(r0, ROWS_PER_TILE)])


_agg1_call = functools.partial(
    pl.kernel,
    out_type=jax.ShapeDtypeStruct((NC, N_PAD, DHH), jnp.float32),
    mesh=_sc_mesh(),
    scratch_types=[
        pltpu.VMEM((CHUNK,), jnp.int32),
        pltpu.VMEM((CHUNK,), jnp.int32),
        pltpu.VMEM((CHUNK, DHH), jnp.float32),
        pltpu.VMEM_SHARED((N_PAD, DHH), jnp.float32),
        pltpu.SemaphoreType.DMA,
    ],
)(_agg1_body)


def _agg2_body(zs_hbm, src_hbm, dst_hbm, zeros_hbm, out_hbm,
               src_v, dst_v, rows_v, acc, sem):
    cid = lax.axis_index("c")
    sid = lax.axis_index("s")
    r0 = sid * ROWS_PER_TILE
    for i in range(ROWS_PER_TILE // CHUNK):
        pltpu.sync_copy(zeros_hbm, acc.at[pl.ds(r0 + i * CHUNK, CHUNK)])
    plsc.subcore_barrier()
    e_per_tile = E_PAD // (NC * NS)
    base = cid * (E_PAD // NC) + sid * e_per_tile

    def body(k, carry):
        b = base + k * CHUNK
        pltpu.sync_copy(src_hbm.at[pl.ds(b, CHUNK)], src_v)
        pltpu.sync_copy(dst_hbm.at[pl.ds(b, CHUNK)], dst_v)
        pltpu.async_copy(zs_hbm.at[src_v], rows_v, sem).wait()
        pltpu.sync_copy(rows_v, acc.at[dst_v], add=True)
        return carry

    lax.fori_loop(0, NCHD, body, 0)
    plsc.subcore_barrier()
    pltpu.sync_copy(acc.at[pl.ds(r0, ROWS_PER_TILE)],
                    out_hbm.at[cid, pl.ds(r0, ROWS_PER_TILE)])


_agg2_call = functools.partial(
    pl.kernel,
    out_type=jax.ShapeDtypeStruct((NC, N_PAD, DHH), jnp.float32),
    mesh=_sc_mesh(),
    scratch_types=[
        pltpu.VMEM((CHUNK,), jnp.int32),
        pltpu.VMEM((CHUNK,), jnp.int32),
        pltpu.VMEM((CHUNK, DHH), jnp.float32),
        pltpu.VMEM_SHARED((N_PAD, DHH), jnp.float32),
        pltpu.SemaphoreType.DMA,
    ],
)(_agg2_body)



def _mm1_body(x_ref, w_ref, deg_ref, hs_ref, dinv_ref):
    h = jnp.dot(x_ref[...], w_ref[...], preferred_element_type=jnp.float32)
    deg = deg_ref[0] + deg_ref[1] + 1.0
    dinv = lax.rsqrt(deg)
    hs = h * dinv[:, None]
    hs_ref[0] = hs[:, :DHH]
    hs_ref[1] = hs[:, DHH:]
    dinv_ref[...] = dinv


def _mm1(x_p, W1, deg2):
    return pl.pallas_call(
        _mm1_body,
        grid=(GRID,),
        in_specs=[
            pl.BlockSpec((RB, DH), lambda r: (r, 0)),
            pl.BlockSpec((DH, DH), lambda r: (0, 0)),
            pl.BlockSpec((NC, RB), lambda r: (0, r)),
        ],
        out_specs=[
            pl.BlockSpec((NC, RB, DHH), lambda r: (0, r, 0)),
            pl.BlockSpec((RB,), lambda r: (r,)),
        ],
        out_shape=[
            jax.ShapeDtypeStruct((NC, N_PAD, DHH), jnp.float32),
            jax.ShapeDtypeStruct((N_PAD,), jnp.float32),
        ],
    )(x_p, W1, deg2)


def _mm2_body(agg_ref, hs_ref, dinv_ref, b1_ref, w2_ref, zs_ref):
    dinv = dinv_ref[...]
    o0 = jnp.maximum(dinv[:, None] * (agg_ref[0] + hs_ref[0]) + b1_ref[0][None, :], 0.0)
    o1 = jnp.maximum(dinv[:, None] * (agg_ref[1] + hs_ref[1]) + b1_ref[1][None, :], 0.0)
    z = (jnp.dot(o0, w2_ref[0], preferred_element_type=jnp.float32)
         + jnp.dot(o1, w2_ref[1], preferred_element_type=jnp.float32))
    zs = z * dinv[:, None]
    zs_ref[...] = jnp.concatenate(
        [zs, jnp.zeros((zs.shape[0], DHH - DO_PAD), jnp.float32)], axis=1)


def _mm2(agg, hs, dinv, b1s, W2p):
    return pl.pallas_call(
        _mm2_body,
        grid=(GRID,),
        in_specs=[
            pl.BlockSpec((NC, RB, DHH), lambda r: (0, r, 0)),
            pl.BlockSpec((NC, RB, DHH), lambda r: (0, r, 0)),
            pl.BlockSpec((RB,), lambda r: (r,)),
            pl.BlockSpec((NC, DHH), lambda r: (0, 0)),
            pl.BlockSpec((NC, DHH, DO_PAD), lambda r: (0, 0, 0)),
        ],
        out_specs=pl.BlockSpec((RB, DHH), lambda r: (r, 0)),
        out_shape=jax.ShapeDtypeStruct((N_PAD, DHH), jnp.float32),
    )(agg, hs, dinv, b1s, W2p)


def _fin_body(a2_ref, zs_ref, dinv_ref, b2_ref, out_ref):
    dinv = dinv_ref[...]
    t = dinv[:, None] * (a2_ref[0] + a2_ref[1] + zs_ref[...]) + b2_ref[...]
    col = lax.broadcasted_iota(jnp.int32, t.shape, 1)
    valid = col < 7
    neg = jnp.full_like(t, -jnp.inf)
    m = jnp.max(jnp.where(valid, t, neg), axis=1, keepdims=True)
    e = jnp.where(valid, jnp.exp(t - m), 0.0)
    lse = m + jnp.log(jnp.sum(e, axis=1, keepdims=True))
    out_ref[...] = t - lse


def _fin(agg2p, zs, dinv, b2p):
    return pl.pallas_call(
        _fin_body,
        grid=(GRID,),
        in_specs=[
            pl.BlockSpec((NC, RB, DHH), lambda r: (0, r, 0)),
            pl.BlockSpec((RB, DHH), lambda r: (r, 0)),
            pl.BlockSpec((RB,), lambda r: (r,)),
            pl.BlockSpec((1, DHH), lambda r: (0, 0)),
        ],
        out_specs=pl.BlockSpec((RB, DHH), lambda r: (r, 0)),
        out_shape=jax.ShapeDtypeStruct((N_PAD, DHH), jnp.float32),
    )(agg2p, zs, dinv, b2p)



@jax.jit
def kernel(x, edge_index, W1, b1, W2, b2):
    n, _ = x.shape
    e = edge_index.shape[1]
    d_out = W2.shape[1]
    src = edge_index[0].astype(jnp.int32)
    dst = edge_index[1].astype(jnp.int32)
    src_p = jnp.concatenate([src, jnp.zeros((E_PAD - e,), jnp.int32)])
    dst_p = jnp.concatenate([dst, jnp.full((E_PAD - e,), N_PAD - 1, jnp.int32)])
    srcs2 = jnp.stack([src_p, src_p + N_PAD])
    x_p = jnp.pad(x, ((0, N_PAD - n), (0, 0)))
    ones_blk = jnp.ones((CHUNK, DHH), jnp.float32)
    zeros128 = jnp.zeros((CHUNK, DHH), jnp.float32)
    W2p = jnp.pad(W2, ((0, 0), (0, DO_PAD - d_out))).reshape(NC, DHH, DO_PAD)
    b1s = b1.reshape(NC, DHH)
    b2p = jnp.pad(b2, (0, DHH - d_out)).reshape(1, DHH)

    deg_parts = _deg_call(dst_p, ones_blk, zeros128)
    deg2 = deg_parts[:, :, 0]
    hs, dinv = _mm1(x_p, W1, deg2)
    agg = _agg1_call(hs.reshape(NC * N_PAD, DHH), srcs2, dst_p, zeros128)
    zs = _mm2(agg, hs, dinv, b1s, W2p)
    agg2p = _agg2_call(zs, src_p, dst_p, zeros128)
    outp = _fin(agg2p, zs, dinv, b2p)
    return outp[:n, :d_out]

# --- scband reference (transcript-rebuilt; emitter-appended) ---
"""Pipeline reference for scband-gcn-3959959847515 (READ-ONLY COPY).

The authoritative reference and input builder live on the scoring server;
editing this copy changes nothing except your own understanding.
"""

import jax, jax.numpy as jnp
import numpy as np

N_NODES = 10000
N_EDGES = 160000
D_IN = 256
D_HID = 256
D_OUT = 7


def setup_inputs(seed: int = 0) -> dict:
    key = jax.random.key(seed)
    k1, k2, k3, k4, k5, k6 = jax.random.split(key, 6)
    x = jax.random.normal(k1, (N_NODES, D_IN), dtype=jnp.float32)
    edge_index = jax.random.randint(k2, (2, N_EDGES), 0, N_NODES, dtype=jnp.int64)
    # glorot-style init for GCNConv weights
    s1 = float(np.sqrt(6.0 / (D_IN + D_HID)))
    s2 = float(np.sqrt(6.0 / (D_HID + D_OUT)))
    W1 = jax.random.uniform(k3, (D_IN, D_HID), dtype=jnp.float32, minval=-s1, maxval=s1)
    b1 = jnp.zeros((D_HID,), dtype=jnp.float32)
    W2 = jax.random.uniform(k4, (D_HID, D_OUT), dtype=jnp.float32, minval=-s2, maxval=s2)
    b2 = jnp.zeros((D_OUT,), dtype=jnp.float32)
    return {"x": x, "edge_index": edge_index, "W1": W1, "b1": b1, "W2": W2, "b2": b2}


def _gcn_conv(x, src, dst, W, b, num_nodes):
    # PyG GCNConv (add_self_loops=True, normalize=True):
    # x' = D^{-1/2} (A + I) D^{-1/2} X W + b
    loop = jnp.arange(num_nodes, dtype=src.dtype)
    s = jnp.concatenate([src, loop])
    d = jnp.concatenate([dst, loop])
    h = x @ W
    deg = jnp.zeros((num_nodes,), dtype=h.dtype).at[d].add(1.0)
    dinv = jnp.where(deg > 0, deg ** -0.5, 0.0)
    norm = dinv[s] * dinv[d]
    msg = h[s] * norm[:, None]
    out = jnp.zeros((num_nodes, h.shape[1]), dtype=h.dtype).at[d].add(msg)
    return out + b


def reference(x, edge_index, W1, b1, W2, b2):
    src, dst = edge_index[0], edge_index[1]
    n = x.shape[0]
    h = _gcn_conv(x, src, dst, W1, b1, n)
    h = jax.nn.relu(h)
    # F.dropout with training=False (eval mode) is identity
    h = _gcn_conv(h, src, dst, W2, b2, n)
    return jax.nn.log_softmax(h, axis=1)

if __name__ == "__main__":
    import jax
    _d = setup_inputs()
    print(jax.jit(kernel)(*tuple(_d.values())))

</pallas_src>

<mosaic_0001>
#map = affine_map<(d0, d1) -> (0, 0)>
#map1 = affine_map<(d0, d1) -> (0)>
#map2 = affine_map<(d0, d1) -> (0, 0, 0)>
module attributes {stable_mosaic.version = 14 : i64} {
  func.func @_agg2_body(%arg0: i32, %arg1: i32, %arg2: memref<10240x128xf32, #tpu.memory_space<hbm>>, %arg3: memref<163840xi32, #tpu.memory_space<hbm>>, %arg4: memref<163840xi32, #tpu.memory_space<hbm>>, %arg5: memref<128x128xf32, #tpu.memory_space<hbm>>, %arg6: memref<2x10240x128xf32, #tpu.memory_space<hbm>>, %arg7: memref<128xi32, #tpu.memory_space<vmem>>, %arg8: memref<128xi32, #tpu.memory_space<vmem>>, %arg9: memref<128x128xf32, #tpu.memory_space<vmem>>, %arg10: memref<10240x128xf32, #tpu.memory_space<vmem_shared>>, %arg11: memref<!tpu.dma_semaphore, #tpu.memory_space<semaphore_mem>>) attributes {dimension_semantics = [#tpu.dimension_semantics<core_parallel>, #tpu.dimension_semantics<subcore_parallel>], iteration_bounds = array<i64: 2, 16>, scalar_prefetch = 0 : i64, scratch_operands = 5 : i64, tpu.core_type = #tpu.core_type<sc_vector_subcore>, window_params = [{transform_indices = #map}, {transform_indices = #map1}, {transform_indices = #map1}, {transform_indices = #map}, {transform_indices = #map2}]} {
    %mul3A = arith.constant 640 : i32
    %mul3A_0 = arith.muli %arg1, %mul3A : i32
    %add3A = arith.constant 0 : i32
    %add3A_1 = arith.addi %mul3A_0, %add3A : i32
    "tpu.region"() ({
      %run_scoped3A = tpu.sem_alloc : memref<!tpu.dma_semaphore, #tpu.memory_space<semaphore_mem>>
      %dma_start3A = arith.constant 0 : i32
      %dma_start3A_21 = tpu.memref_slice %arg10[%add3A_1, %dma_start3A] : memref<10240x128xf32, #tpu.memory_space<vmem_shared>> -> memref<128x128xf32, #tpu.memory_space<vmem_shared>>
      tpu.enqueue_dma source(%arg5 : memref<128x128xf32, #tpu.memory_space<hbm>>) target(%dma_start3A_21 : memref<128x128xf32, #tpu.memory_space<vmem_shared>>) target_semaphore(%run_scoped3A : memref<!tpu.dma_semaphore, #tpu.memory_space<semaphore_mem>>)
      %dma_wait3A = arith.constant 0 : i32
      %dma_wait3A_22 = tpu.memref_slice %arg10[%add3A_1, %dma_wait3A] : memref<10240x128xf32, #tpu.memory_space<vmem_shared>> -> memref<128x128xf32, #tpu.memory_space<vmem_shared>>
      tpu.wait_dma2 semaphore(%run_scoped3A : memref<!tpu.dma_semaphore, #tpu.memory_space<semaphore_mem>>) src(%arg5 : memref<128x128xf32, #tpu.memory_space<hbm>>) dst(%dma_wait3A_22 : memref<128x128xf32, #tpu.memory_space<vmem_shared>>)
      tpu.yield
    }) : () -> ()
    %add3A_2 = arith.constant 128 : i32
    %add3A_3 = arith.addi %mul3A_0, %add3A_2 : i32
    "tpu.region"() ({
      %run_scoped3A = tpu.sem_alloc : memref<!tpu.dma_semaphore, #tpu.memory_space<semaphore_mem>>
      %dma_start3A = arith.constant 0 : i32
      %dma_start3A_21 = tpu.memref_slice %arg10[%add3A_3, %dma_start3A] : memref<10240x128xf32, #tpu.memory_space<vmem_shared>> -> memref<128x128xf32, #tpu.memory_space<vmem_shared>>
      tpu.enqueue_dma source(%arg5 : memref<128x128xf32, #tpu.memory_space<hbm>>) target(%dma_start3A_21 : memref<128x128xf32, #tpu.memory_space<vmem_shared>>) target_semaphore(%run_scoped3A : memref<!tpu.dma_semaphore, #tpu.memory_space<semaphore_mem>>)
      %dma_wait3A = arith.constant 0 : i32
      %dma_wait3A_22 = tpu.memref_slice %arg10[%add3A_3, %dma_wait3A] : memref<10240x128xf32, #tpu.memory_space<vmem_shared>> -> memref<128x128xf32, #tpu.memory_space<vmem_shared>>
      tpu.wait_dma2 semaphore(%run_scoped3A : memref<!tpu.dma_semaphore, #tpu.memory_space<semaphore_mem>>) src(%arg5 : memref<128x128xf32, #tpu.memory_space<hbm>>) dst(%dma_wait3A_22 : memref<128x128xf32, #tpu.memory_space<vmem_shared>>)
      tpu.yield
    }) : () -> ()
    %add3A_4 = arith.constant 256 : i32
    %add3A_5 = arith.addi %mul3A_0, %add3A_4 : i32
    "tpu.region"() ({
      %run_scoped3A = tpu.sem_alloc : memref<!tpu.dma_semaphore, #tpu.memory_space<semaphore_mem>>
      %dma_start3A = arith.constant 0 : i32
      %dma_start3A_21 = tpu.memref_slice %arg10[%add3A_5, %dma_start3A] : memref<10240x128xf32, #tpu.memory_space<vmem_shared>> -> memref<128x128xf32, #tpu.memory_space<vmem_shared>>
      tpu.enqueue_dma source(%arg5 : memref<128x128xf32, #tpu.memory_space<hbm>>) target(%dma_start3A_21 : memref<128x128xf32, #tpu.memory_space<vmem_shared>>) target_semaphore(%run_scoped3A : memref<!tpu.dma_semaphore, #tpu.memory_space<semaphore_mem>>)
      %dma_wait3A = arith.constant 0 : i32
      %dma_wait3A_22 = tpu.memref_slice %arg10[%add3A_5, %dma_wait3A] : memref<10240x128xf32, #tpu.memory_space<vmem_shared>> -> memref<128x128xf32, #tpu.memory_space<vmem_shared>>
      tpu.wait_dma2 semaphore(%run_scoped3A : memref<!tpu.dma_semaphore, #tpu.memory_space<semaphore_mem>>) src(%arg5 : memref<128x128xf32, #tpu.memory_space<hbm>>) dst(%dma_wait3A_22 : memref<128x128xf32, #tpu.memory_space<vmem_shared>>)
      tpu.yield
    }) : () -> ()
    %add3A_6 = arith.constant 384 : i32
    %add3A_7 = arith.addi %mul3A_0, %add3A_6 : i32
    "tpu.region"() ({
      %run_scoped3A = tpu.sem_alloc : memref<!tpu.dma_semaphore, #tpu.memory_space<semaphore_mem>>
      %dma_start3A = arith.constant 0 : i32
      %dma_start3A_21 = tpu.memref_slice %arg10[%add3A_7, %dma_start3A] : memref<10240x128xf32, #tpu.memory_space<vmem_shared>> -> memref<128x128xf32, #tpu.memory_space<vmem_shared>>
      tpu.enqueue_dma source(%arg5 : memref<128x128xf32, #tpu.memory_space<hbm>>) target(%dma_start3A_21 : memref<128x128xf32, #tpu.memory_space<vmem_shared>>) target_semaphore(%run_scoped3A : memref<!tpu.dma_semaphore, #tpu.memory_space<semaphore_mem>>)
      %dma_wait3A = arith.constant 0 : i32
      %dma_wait3A_22 = tpu.memref_slice %arg10[%add3A_7, %dma_wait3A] : memref<10240x128xf32, #tpu.memory_space<vmem_shared>> -> memref<128x128xf32, #tpu.memory_space<vmem_shared>>
      tpu.wait_dma2 semaphore(%run_scoped3A : memref<!tpu.dma_semaphore, #tpu.memory_space<semaphore_mem>>) src(%arg5 : memref<128x128xf32, #tpu.memory_space<hbm>>) dst(%dma_wait3A_22 : memref<128x128xf32, #tpu.memory_space<vmem_shared>>)
      tpu.yield
    }) : () -> ()
    %add3A_8 = arith.constant 512 : i32
    %add3A_9 = arith.addi %mul3A_0, %add3A_8 : i32
    "tpu.region"() ({
      %run_scoped3A = tpu.sem_alloc : memref<!tpu.dma_semaphore, #tpu.memory_space<semaphore_mem>>
      %dma_start3A = arith.constant 0 : i32
      %dma_start3A_21 = tpu.memref_slice %arg10[%add3A_9, %dma_start3A] : memref<10240x128xf32, #tpu.memory_space<vmem_shared>> -> memref<128x128xf32, #tpu.memory_space<vmem_shared>>
      tpu.enqueue_dma source(%arg5 : memref<128x128xf32, #tpu.memory_space<hbm>>) target(%dma_start3A_21 : memref<128x128xf32, #tpu.memory_space<vmem_shared>>) target_semaphore(%run_scoped3A : memref<!tpu.dma_semaphore, #tpu.memory_space<semaphore_mem>>)
      %dma_wait3A = arith.constant 0 : i32
      %dma_wait3A_22 = tpu.memref_slice %arg10[%add3A_9, %dma_wait3A] : memref<10240x128xf32, #tpu.memory_space<vmem_shared>> -> memref<128x128xf32, #tpu.memory_space<vmem_shared>>
      tpu.wait_dma2 semaphore(%run_scoped3A : memref<!tpu.dma_semaphore, #tpu.memory_space<semaphore_mem>>) src(%arg5 : memref<128x128xf32, #tpu.memory_space<hbm>>) dst(%dma_wait3A_22 : memref<128x128xf32, #tpu.memory_space<vmem_shared>>)
      tpu.yield
    }) : () -> ()
    %barrier3A = arith.constant 0 : index
    tpu.barrier barrier_id(%barrier3A)
    %mul3A_10 = arith.constant 81920 : i32
    %mul3A_11 = arith.muli %arg0, %mul3A_10 : i32
    %mul3A_12 = arith.constant 5120 : i32
    %mul3A_13 = arith.muli %arg1, %mul3A_12 : i32
    %add3A_14 = arith.addi %mul3A_11, %mul3A_13 : i32
    %scan3A = arith.constant 0 : i32
    %scan3A_15 = arith.constant 0 : i32
    %scan3A_16 = arith.constant 40 : i32
    %scan3A_17 = arith.addi %scan3A_15, %scan3A_16 : i32
    %scan3A_18 = arith.constant 1 : i32
    scf.for %scan3A_21 = %scan3A_15 to %scan3A_17 step %scan3A_18  : i32 {
      %mul3A_22 = arith.constant 128 : i32
      %mul3A_23 = arith.muli %scan3A_21, %mul3A_22 : i32
      %add3A_24 = arith.addi %add3A_14, %mul3A_23 : i32
      "tpu.region"() ({
        %run_scoped3A = tpu.sem_alloc : memref<!tpu.dma_semaphore, #tpu.memory_space<semaphore_mem>>
        %dma_start3A_29 = tpu.memref_slice %arg3[%add3A_24] : memref<163840xi32, #tpu.memory_space<hbm>> -> memref<128xi32, #tpu.memory_space<hbm>>
        %dma_start3A_30 = tpu.memref_slice %arg3[%add3A_24] : memref<163840xi32, #tpu.memory_space<hbm>> -> memref<128xi32, #tpu.memory_space<hbm>>
        tpu.enqueue_dma source(%dma_start3A_30 : memref<128xi32, #tpu.memory_space<hbm>>) target(%arg7 : memref<128xi32, #tpu.memory_space<vmem>>) target_semaphore(%run_scoped3A : memref<!tpu.dma_semaphore, #tpu.memory_space<semaphore_mem>>)
        %dma_wait3A_31 = tpu.memref_slice %arg3[%add3A_24] : memref<163840xi32, #tpu.memory_space<hbm>> -> memref<128xi32, #tpu.memory_space<hbm>>
        %dma_wait3A_32 = tpu.memref_slice %arg3[%add3A_24] : memref<163840xi32, #tpu.memory_space<hbm>> -> memref<128xi32, #tpu.memory_space<hbm>>
        tpu.wait_dma2 semaphore(%run_scoped3A : memref<!tpu.dma_semaphore, #tpu.memory_space<semaphore_mem>>) src(%dma_wait3A_32 : memref<128xi32, #tpu.memory_space<hbm>>) dst(%arg7 : memref<128xi32, #tpu.memory_space<vmem>>)
        tpu.yield
      }) : () -> ()
      "tpu.region"() ({
        %run_scoped3A = tpu.sem_alloc : memref<!tpu.dma_semaphore, #tpu.memory_space<semaphore_mem>>
        %dma_start3A_29 = tpu.memref_slice %arg4[%add3A_24] : memref<163840xi32, #tpu.memory_space<hbm>> -> memref<128xi32, #tpu.memory_space<hbm>>
        %dma_start3A_30 = tpu.memref_slice %arg4[%add3A_24] : memref<163840xi32, #tpu.memory_space<hbm>> -> memref<128xi32, #tpu.memory_space<hbm>>
        tpu.enqueue_dma source(%dma_start3A_30 : memref<128xi32, #tpu.memory_space<hbm>>) target(%arg8 : memref<128xi32, #tpu.memory_space<vmem>>) target_semaphore(%run_scoped3A : memref<!tpu.dma_semaphore, #tpu.memory_space<semaphore_mem>>)
        %dma_wait3A_31 = tpu.memref_slice %arg4[%add3A_24] : memref<163840xi32, #tpu.memory_space<hbm>> -> memref<128xi32, #tpu.memory_space<hbm>>
        %dma_wait3A_32 = tpu.memref_slice %arg4[%add3A_24] : memref<163840xi32, #tpu.memory_space<hbm>> -> memref<128xi32, #tpu.memory_space<hbm>>
        tpu.wait_dma2 semaphore(%run_scoped3A : memref<!tpu.dma_semaphore, #tpu.memory_space<semaphore_mem>>) src(%dma_wait3A_32 : memref<128xi32, #tpu.memory_space<hbm>>) dst(%arg8 : memref<128xi32, #tpu.memory_space<vmem>>)
        tpu.yield
      }) : () -> ()
      %dma_start3A = arith.constant 0 : i32
      %dma_start3A_25 = arith.constant 0 : i32
      %dma_start3A_26 = tpu.memref_slice %arg2[%dma_start3A, %dma_start3A_25] : memref<10240x128xf32, #tpu.memory_space<hbm>> -> memref<10240x128xf32, #tpu.memory_space<hbm>>
      tpu.enqueue_indirect_dma source(%dma_start3A_26 : memref<10240x128xf32, #tpu.memory_space<hbm>>) target(%arg9 : memref<128x128xf32, #tpu.memory_space<vmem>>) offsets(%arg7 : memref<128xi32, #tpu.memory_space<vmem>>) semaphore(%arg11 : memref<!tpu.dma_semaphore, #tpu.memory_space<semaphore_mem>>)
      %dma_wait3A = arith.constant 0 : i32
      %dma_wait3A_27 = arith.constant 0 : i32
      %dma_wait3A_28 = tpu.memref_slice %arg2[%dma_wait3A, %dma_wait3A_27] : memref<10240x128xf32, #tpu.memory_space<hbm>> -> memref<10240x128xf32, #tpu.memory_space<hbm>>
      tpu.wait_indirect_dma semaphore(%arg11 : memref<!tpu.dma_semaphore, #tpu.memory_space<semaphore_mem>>) src(%dma_wait3A_28 : memref<10240x128xf32, #tpu.memory_space<hbm>>) dst(%arg9 : memref<128x128xf32, #tpu.memory_space<vmem>>)
      "tpu.region"() ({
        %run_scoped3A = tpu.sem_alloc : memref<!tpu.dma_semaphore, #tpu.memory_space<semaphore_mem>>
        %dma_start3A_29 = arith.constant 0 : i32
        %dma_start3A_30 = arith.constant 0 : i32
        %dma_start3A_31 = tpu.memref_slice %arg10[%dma_start3A_29, %dma_start3A_30] : memref<10240x128xf32, #tpu.memory_space<vmem_shared>> -> memref<10240x128xf32, #tpu.memory_space<vmem_shared>>
        tpu.enqueue_indirect_dma source(%arg9 : memref<128x128xf32, #tpu.memory_space<vmem>>) target(%dma_start3A_31 : memref<10240x128xf32, #tpu.memory_space<vmem_shared>>) offsets(%arg8 : memref<128xi32, #tpu.memory_space<vmem>>) semaphore(%run_scoped3A : memref<!tpu.dma_semaphore, #tpu.memory_space<semaphore_mem>>) {add = true}
        %dma_wait3A_32 = arith.constant 0 : i32
        %dma_wait3A_33 = arith.constant 0 : i32
        %dma_wait3A_34 = tpu.memref_slice %arg10[%dma_wait3A_32, %dma_wait3A_33] : memref<10240x128xf32, #tpu.memory_space<vmem_shared>> -> memref<10240x128xf32, #tpu.memory_space<vmem_shared>>
        tpu.wait_indirect_dma semaphore(%run_scoped3A : memref<!tpu.dma_semaphore, #tpu.memory_space<semaphore_mem>>) src(%arg9 : memref<128x128xf32, #tpu.memory_space<vmem>>) dst(%dma_wait3A_34 : memref<10240x128xf32, #tpu.memory_space<vmem_shared>>)
        tpu.yield
      }) : () -> ()
    }
    %scan3A_19 = arith.constant 40 : i32
    %barrier3A_20 = arith.constant 0 : index
    tpu.barrier barrier_id(%barrier3A_20)
    "tpu.region"() ({
      %run_scoped3A = tpu.sem_alloc : memref<!tpu.dma_semaphore, #tpu.memory_space<semaphore_mem>>
      %dma_start3A = arith.constant 0 : i32
      %dma_start3A_21 = tpu.memref_slice %arg6[%arg0, %mul3A_0, %dma_start3A] : memref<2x10240x128xf32, #tpu.memory_space<hbm>> -> memref<1x640x128xf32, #tpu.memory_space<hbm>>
      %dma_start3A_22 = tpu.memref_squeeze %dma_start3A_21 : memref<1x640x128xf32, #tpu.memory_space<hbm>> -> memref<640x128xf32, #tpu.memory_space<hbm>>
      %dma_start3A_23 = arith.constant 0 : i32
      %dma_start3A_24 = tpu.memref_slice %arg10[%mul3A_0, %dma_start3A_23] : memref<10240x128xf32, #tpu.memory_space<vmem_shared>> -> memref<640x128xf32, #tpu.memory_space<vmem_shared>>
      tpu.enqueue_dma source(%dma_start3A_24 : memref<640x128xf32, #tpu.memory_space<vmem_shared>>) target(%dma_start3A_22 : memref<640x128xf32, #tpu.memory_space<hbm>>) target_semaphore(%run_scoped3A : memref<!tpu.dma_semaphore, #tpu.memory_space<semaphore_mem>>)
      %dma_wait3A = arith.constant 0 : i32
      %dma_wait3A_25 = tpu.memref_slice %arg6[%arg0, %mul3A_0, %dma_wait3A] : memref<2x10240x128xf32, #tpu.memory_space<hbm>> -> memref<1x640x128xf32, #tpu.memory_space<hbm>>
      %dma_wait3A_26 = tpu.memref_squeeze %dma_wait3A_25 : memref<1x640x128xf32, #tpu.memory_space<hbm>> -> memref<640x128xf32, #tpu.memory_space<hbm>>
      %dma_wait3A_27 = arith.constant 0 : i32
      %dma_wait3A_28 = tpu.memref_slice %arg10[%mul3A_0, %dma_wait3A_27] : memref<10240x128xf32, #tpu.memory_space<vmem_shared>> -> memref<640x128xf32, #tpu.memory_space<vmem_shared>>
      tpu.wait_dma2 semaphore(%run_scoped3A : memref<!tpu.dma_semaphore, #tpu.memory_space<semaphore_mem>>) src(%dma_wait3A_28 : memref<640x128xf32, #tpu.memory_space<vmem_shared>>) dst(%dma_wait3A_26 : memref<640x128xf32, #tpu.memory_space<hbm>>)
      tpu.yield
    }) : () -> ()
    return
  }
}

#map = affine_map<(d0, d1) -> (0)>
#map1 = affine_map<(d0, d1) -> (0, 0)>
#map2 = affine_map<(d0, d1) -> (0, 0, 0)>
module attributes {stable_mosaic.version = 14 : i64} {
  func.func @_deg_body(%arg0: i32, %arg1: i32, %arg2: memref<163840xi32, #tpu.memory_space<hbm>>, %arg3: memref<128x128xf32, #tpu.memory_space<hbm>>, %arg4: memref<128x128xf32, #tpu.memory_space<hbm>>, %arg5: memref<2x10240x128xf32, #tpu.memory_space<hbm>>, %arg6: memref<128xi32, #tpu.memory_space<vmem>>, %arg7: memref<128x128xf32, #tpu.memory_space<vmem>>, %arg8: memref<10240x128xf32, #tpu.memory_space<vmem_shared>>) attributes {dimension_semantics = [#tpu.dimension_semantics<core_parallel>, #tpu.dimension_semantics<subcore_parallel>], iteration_bounds = array<i64: 2, 16>, scalar_prefetch = 0 : i64, scratch_operands = 3 : i64, tpu.core_type = #tpu.core_type<sc_vector_subcore>, window_params = [{transform_indices = #map}, {transform_indices = #map1}, {transform_indices = #map1}, {transform_indices = #map2}]} {
    %mul3A = arith.constant 640 : i32
    %mul3A_0 = arith.muli %arg1, %mul3A : i32
    %add3A = arith.constant 0 : i32
    %add3A_1 = arith.addi %mul3A_0, %add3A : i32
    "tpu.region"() ({
      %run_scoped3A = tpu.sem_alloc : memref<!tpu.dma_semaphore, #tpu.memory_space<semaphore_mem>>
      %dma_start3A = arith.constant 0 : i32
      %dma_start3A_21 = tpu.memref_slice %arg8[%add3A_1, %dma_start3A] : memref<10240x128xf32, #tpu.memory_space<vmem_shared>> -> memref<128x128xf32, #tpu.memory_space<vmem_shared>>
      tpu.enqueue_dma source(%arg4 : memref<128x128xf32, #tpu.memory_space<hbm>>) target(%dma_start3A_21 : memref<128x128xf32, #tpu.memory_space<vmem_shared>>) target_semaphore(%run_scoped3A : memref<!tpu.dma_semaphore, #tpu.memory_space<semaphore_mem>>)
      %dma_wait3A = arith.constant 0 : i32
      %dma_wait3A_22 = tpu.memref_slice %arg8[%add3A_1, %dma_wait3A] : memref<10240x128xf32, #tpu.memory_space<vmem_shared>> -> memref<128x128xf32, #tpu.memory_space<vmem_shared>>
      tpu.wait_dma2 semaphore(%run_scoped3A : memref<!tpu.dma_semaphore, #tpu.memory_space<semaphore_mem>>) src(%arg4 : memref<128x128xf32, #tpu.memory_space<hbm>>) dst(%dma_wait3A_22 : memref<128x128xf32, #tpu.memory_space<vmem_shared>>)
      tpu.yield
    }) : () -> ()
    %add3A_2 = arith.constant 128 : i32
    %add3A_3 = arith.addi %mul3A_0, %add3A_2 : i32
    "tpu.region"() ({
      %run_scoped3A = tpu.sem_alloc : memref<!tpu.dma_semaphore, #tpu.memory_space<semaphore_mem>>
      %dma_start3A = arith.constant 0 : i32
      %dma_start3A_21 = tpu.memref_slice %arg8[%add3A_3, %dma_start3A] : memref<10240x128xf32, #tpu.memory_space<vmem_shared>> -> memref<128x128xf32, #tpu.memory_space<vmem_shared>>
      tpu.enqueue_dma source(%arg4 : memref<128x128xf32, #tpu.memory_space<hbm>>) target(%dma_start3A_21 : memref<128x128xf32, #tpu.memory_space<vmem_shared>>) target_semaphore(%run_scoped3A : memref<!tpu.dma_semaphore, #tpu.memory_space<semaphore_mem>>)
      %dma_wait3A = arith.constant 0 : i32
      %dma_wait3A_22 = tpu.memref_slice %arg8[%add3A_3, %dma_wait3A] : memref<10240x128xf32, #tpu.memory_space<vmem_shared>> -> memref<128x128xf32, #tpu.memory_space<vmem_shared>>
      tpu.wait_dma2 semaphore(%run_scoped3A : memref<!tpu.dma_semaphore, #tpu.memory_space<semaphore_mem>>) src(%arg4 : memref<128x128xf32, #tpu.memory_space<hbm>>) dst(%dma_wait3A_22 : memref<128x128xf32, #tpu.memory_space<vmem_shared>>)
      tpu.yield
    }) : () -> ()
    %add3A_4 = arith.constant 256 : i32
    %add3A_5 = arith.addi %mul3A_0, %add3A_4 : i32
    "tpu.region"() ({
      %run_scoped3A = tpu.sem_alloc : memref<!tpu.dma_semaphore, #tpu.memory_space<semaphore_mem>>
      %dma_start3A = arith.constant 0 : i32
      %dma_start3A_21 = tpu.memref_slice %arg8[%add3A_5, %dma_start3A] : memref<10240x128xf32, #tpu.memory_space<vmem_shared>> -> memref<128x128xf32, #tpu.memory_space<vmem_shared>>
      tpu.enqueue_dma source(%arg4 : memref<128x128xf32, #tpu.memory_space<hbm>>) target(%dma_start3A_21 : memref<128x128xf32, #tpu.memory_space<vmem_shared>>) target_semaphore(%run_scoped3A : memref<!tpu.dma_semaphore, #tpu.memory_space<semaphore_mem>>)
      %dma_wait3A = arith.constant 0 : i32
      %dma_wait3A_22 = tpu.memref_slice %arg8[%add3A_5, %dma_wait3A] : memref<10240x128xf32, #tpu.memory_space<vmem_shared>> -> memref<128x128xf32, #tpu.memory_space<vmem_shared>>
      tpu.wait_dma2 semaphore(%run_scoped3A : memref<!tpu.dma_semaphore, #tpu.memory_space<semaphore_mem>>) src(%arg4 : memref<128x128xf32, #tpu.memory_space<hbm>>) dst(%dma_wait3A_22 : memref<128x128xf32, #tpu.memory_space<vmem_shared>>)
      tpu.yield
    }) : () -> ()
    %add3A_6 = arith.constant 384 : i32
    %add3A_7 = arith.addi %mul3A_0, %add3A_6 : i32
    "tpu.region"() ({
      %run_scoped3A = tpu.sem_alloc : memref<!tpu.dma_semaphore, #tpu.memory_space<semaphore_mem>>
      %dma_start3A = arith.constant 0 : i32
      %dma_start3A_21 = tpu.memref_slice %arg8[%add3A_7, %dma_start3A] : memref<10240x128xf32, #tpu.memory_space<vmem_shared>> -> memref<128x128xf32, #tpu.memory_space<vmem_shared>>
      tpu.enqueue_dma source(%arg4 : memref<128x128xf32, #tpu.memory_space<hbm>>) target(%dma_start3A_21 : memref<128x128xf32, #tpu.memory_space<vmem_shared>>) target_semaphore(%run_scoped3A : memref<!tpu.dma_semaphore, #tpu.memory_space<semaphore_mem>>)
      %dma_wait3A = arith.constant 0 : i32
      %dma_wait3A_22 = tpu.memref_slice %arg8[%add3A_7, %dma_wait3A] : memref<10240x128xf32, #tpu.memory_space<vmem_shared>> -> memref<128x128xf32, #tpu.memory_space<vmem_shared>>
      tpu.wait_dma2 semaphore(%run_scoped3A : memref<!tpu.dma_semaphore, #tpu.memory_space<semaphore_mem>>) src(%arg4 : memref<128x128xf32, #tpu.memory_space<hbm>>) dst(%dma_wait3A_22 : memref<128x128xf32, #tpu.memory_space<vmem_shared>>)
      tpu.yield
    }) : () -> ()
    %add3A_8 = arith.constant 512 : i32
    %add3A_9 = arith.addi %mul3A_0, %add3A_8 : i32
    "tpu.region"() ({
      %run_scoped3A = tpu.sem_alloc : memref<!tpu.dma_semaphore, #tpu.memory_space<semaphore_mem>>
      %dma_start3A = arith.constant 0 : i32
      %dma_start3A_21 = tpu.memref_slice %arg8[%add3A_9, %dma_start3A] : memref<10240x128xf32, #tpu.memory_space<vmem_shared>> -> memref<128x128xf32, #tpu.memory_space<vmem_shared>>
      tpu.enqueue_dma source(%arg4 : memref<128x128xf32, #tpu.memory_space<hbm>>) target(%dma_start3A_21 : memref<128x128xf32, #tpu.memory_space<vmem_shared>>) target_semaphore(%run_scoped3A : memref<!tpu.dma_semaphore, #tpu.memory_space<semaphore_mem>>)
      %dma_wait3A = arith.constant 0 : i32
      %dma_wait3A_22 = tpu.memref_slice %arg8[%add3A_9, %dma_wait3A] : memref<10240x128xf32, #tpu.memory_space<vmem_shared>> -> memref<128x128xf32, #tpu.memory_space<vmem_shared>>
      tpu.wait_dma2 semaphore(%run_scoped3A : memref<!tpu.dma_semaphore, #tpu.memory_space<semaphore_mem>>) src(%arg4 : memref<128x128xf32, #tpu.memory_space<hbm>>) dst(%dma_wait3A_22 : memref<128x128xf32, #tpu.memory_space<vmem_shared>>)
      tpu.yield
    }) : () -> ()
    "tpu.region"() ({
      %run_scoped3A = tpu.sem_alloc : memref<!tpu.dma_semaphore, #tpu.memory_space<semaphore_mem>>
      tpu.enqueue_dma source(%arg3 : memref<128x128xf32, #tpu.memory_space<hbm>>) target(%arg7 : memref<128x128xf32, #tpu.memory_space<vmem>>) target_semaphore(%run_scoped3A : memref<!tpu.dma_semaphore, #tpu.memory_space<semaphore_mem>>)
      tpu.wait_dma2 semaphore(%run_scoped3A : memref<!tpu.dma_semaphore, #tpu.memory_space<semaphore_mem>>) src(%arg3 : memref<128x128xf32, #tpu.memory_space<hbm>>) dst(%arg7 : memref<128x128xf32, #tpu.memory_space<vmem>>)
      tpu.yield
    }) : () -> ()
    %barrier3A = arith.constant 0 : index
    tpu.barrier barrier_id(%barrier3A)
    %mul3A_10 = arith.constant 81920 : i32
    %mul3A_11 = arith.muli %arg0, %mul3A_10 : i32
    %mul3A_12 = arith.constant 5120 : i32
    %mul3A_13 = arith.muli %arg1, %mul3A_12 : i32
    %add3A_14 = arith.addi %mul3A_11, %mul3A_13 : i32
    %scan3A = arith.constant 0 : i32
    %scan3A_15 = arith.constant 0 : i32
    %scan3A_16 = arith.constant 40 : i32
    %scan3A_17 = arith.addi %scan3A_15, %scan3A_16 : i32
    %scan3A_18 = arith.constant 1 : i32
    scf.for %scan3A_21 = %scan3A_15 to %scan3A_17 step %scan3A_18  : i32 {
      %mul3A_22 = arith.constant 128 : i32
      %mul3A_23 = arith.muli %scan3A_21, %mul3A_22 : i32
      %add3A_24 = arith.addi %add3A_14, %mul3A_23 : i32
      "tpu.region"() ({
        %run_scoped3A = tpu.sem_alloc : memref<!tpu.dma_semaphore, #tpu.memory_space<semaphore_mem>>
        %dma_start3A = tpu.memref_slice %arg2[%add3A_24] : memref<163840xi32, #tpu.memory_space<hbm>> -> memref<128xi32, #tpu.memory_space<hbm>>
        %dma_start3A_25 = tpu.memref_slice %arg2[%add3A_24] : memref<163840xi32, #tpu.memory_space<hbm>> -> memref<128xi32, #tpu.memory_space<hbm>>
        tpu.enqueue_dma source(%dma_start3A_25 : memref<128xi32, #tpu.memory_space<hbm>>) target(%arg6 : memref<128xi32, #tpu.memory_space<vmem>>) target_semaphore(%run_scoped3A : memref<!tpu.dma_semaphore, #tpu.memory_space<semaphore_mem>>)
        %dma_wait3A = tpu.memref_slice %arg2[%add3A_24] : memref<163840xi32, #tpu.memory_space<hbm>> -> memref<128xi32, #tpu.memory_space<hbm>>
        %dma_wait3A_26 = tpu.memref_slice %arg2[%add3A_24] : memref<163840xi32, #tpu.memory_space<hbm>> -> memref<128xi32, #tpu.memory_space<hbm>>
        tpu.wait_dma2 semaphore(%run_scoped3A : memref<!tpu.dma_semaphore, #tpu.memory_space<semaphore_mem>>) src(%dma_wait3A_26 : memref<128xi32, #tpu.memory_space<hbm>>) dst(%arg6 : memref<128xi32, #tpu.memory_space<vmem>>)
        tpu.yield
      }) : () -> ()
      "tpu.region"() ({
        %run_scoped3A = tpu.sem_alloc : memref<!tpu.dma_semaphore, #tpu.memory_space<semaphore_mem>>
        %dma_start3A = arith.constant 0 : i32
        %dma_start3A_25 = arith.constant 0 : i32
        %dma_start3A_26 = tpu.memref_slice %arg8[%dma_start3A, %dma_start3A_25] : memref<10240x128xf32, #tpu.memory_space<vmem_shared>> -> memref<10240x128xf32, #tpu.memory_space<vmem_shared>>
        tpu.enqueue_indirect_dma source(%arg7 : memref<128x128xf32, #tpu.memory_space<vmem>>) target(%dma_start3A_26 : memref<10240x128xf32, #tpu.memory_space<vmem_shared>>) offsets(%arg6 : memref<128xi32, #tpu.memory_space<vmem>>) semaphore(%run_scoped3A : memref<!tpu.dma_semaphore, #tpu.memory_space<semaphore_mem>>) {add = true}
        %dma_wait3A = arith.constant 0 : i32
        %dma_wait3A_27 = arith.constant 0 : i32
        %dma_wait3A_28 = tpu.memref_slice %arg8[%dma_wait3A, %dma_wait3A_27] : memref<10240x128xf32, #tpu.memory_space<vmem_shared>> -> memref<10240x128xf32, #tpu.memory_space<vmem_shared>>
        tpu.wait_indirect_dma semaphore(%run_scoped3A : memref<!tpu.dma_semaphore, #tpu.memory_space<semaphore_mem>>) src(%arg7 : memref<128x128xf32, #tpu.memory_space<vmem>>) dst(%dma_wait3A_28 : memref<10240x128xf32, #tpu.memory_space<vmem_shared>>)
        tpu.yield
      }) : () -> ()
    }
    %scan3A_19 = arith.constant 40 : i32
    %barrier3A_20 = arith.constant 0 : index
    tpu.barrier barrier_id(%barrier3A_20)
    "tpu.region"() ({
      %run_scoped3A = tpu.sem_alloc : memref<!tpu.dma_semaphore, #tpu.memory_space<semaphore_mem>>
      %dma_start3A = arith.constant 0 : i32
      %dma_start3A_21 = tpu.memref_slice %arg5[%arg0, %mul3A_0, %dma_start3A] : memref<2x10240x128xf32, #tpu.memory_space<hbm>> -> memref<1x640x128xf32, #tpu.memory_space<hbm>>
      %dma_start3A_22 = tpu.memref_squeeze %dma_start3A_21 : memref<1x640x128xf32, #tpu.memory_space<hbm>> -> memref<640x128xf32, #tpu.memory_space<hbm>>
      %dma_start3A_23 = arith.constant 0 : i32
      %dma_start3A_24 = tpu.memref_slice %arg8[%mul3A_0, %dma_start3A_23] : memref<10240x128xf32, #tpu.memory_space<vmem_shared>> -> memref<640x128xf32, #tpu.memory_space<vmem_shared>>
      tpu.enqueue_dma source(%dma_start3A_24 : memref<640x128xf32, #tpu.memory_space<vmem_shared>>) target(%dma_start3A_22 : memref<640x128xf32, #tpu.memory_space<hbm>>) target_semaphore(%run_scoped3A : memref<!tpu.dma_semaphore, #tpu.memory_space<semaphore_mem>>)
      %dma_wait3A = arith.constant 0 : i32
      %dma_wait3A_25 = tpu.memref_slice %arg5[%arg0, %mul3A_0, %dma_wait3A] : memref<2x10240x128xf32, #tpu.memory_space<hbm>> -> memref<1x640x128xf32, #tpu.memory_space<hbm>>
      %dma_wait3A_26 = tpu.memref_squeeze %dma_wait3A_25 : memref<1x640x128xf32, #tpu.memory_space<hbm>> -> memref<640x128xf32, #tpu.memory_space<hbm>>
      %dma_wait3A_27 = arith.constant 0 : i32
      %dma_wait3A_28 = tpu.memref_slice %arg8[%mul3A_0, %dma_wait3A_27] : memref<10240x128xf32, #tpu.memory_space<vmem_shared>> -> memref<640x128xf32, #tpu.memory_space<vmem_shared>>
      tpu.wait_dma2 semaphore(%run_scoped3A : memref<!tpu.dma_semaphore, #tpu.memory_space<semaphore_mem>>) src(%dma_wait3A_28 : memref<640x128xf32, #tpu.memory_space<vmem_shared>>) dst(%dma_wait3A_26 : memref<640x128xf32, #tpu.memory_space<hbm>>)
      tpu.yield
    }) : () -> ()
    return
  }
}

#map = affine_map<(d0, d1) -> (0, 0)>
#map1 = affine_map<(d0, d1) -> (0)>
#map2 = affine_map<(d0, d1) -> (0, 0, 0)>
module attributes {stable_mosaic.version = 14 : i64} {
  func.func @_agg1_body(%arg0: i32, %arg1: i32, %arg2: memref<20480x128xf32, #tpu.memory_space<hbm>>, %arg3: memref<2x163840xi32, #tpu.memory_space<hbm>>, %arg4: memref<163840xi32, #tpu.memory_space<hbm>>, %arg5: memref<128x128xf32, #tpu.memory_space<hbm>>, %arg6: memref<2x10240x128xf32, #tpu.memory_space<hbm>>, %arg7: memref<128xi32, #tpu.memory_space<vmem>>, %arg8: memref<128xi32, #tpu.memory_space<vmem>>, %arg9: memref<128x128xf32, #tpu.memory_space<vmem>>, %arg10: memref<10240x128xf32, #tpu.memory_space<vmem_shared>>, %arg11: memref<!tpu.dma_semaphore, #tpu.memory_space<semaphore_mem>>) attributes {dimension_semantics = [#tpu.dimension_semantics<core_parallel>, #tpu.dimension_semantics<subcore_parallel>], iteration_bounds = array<i64: 2, 16>, scalar_prefetch = 0 : i64, scratch_operands = 5 : i64, tpu.core_type = #tpu.core_type<sc_vector_subcore>, window_params = [{transform_indices = #map}, {transform_indices = #map}, {transform_indices = #map1}, {transform_indices = #map}, {transform_indices = #map2}]} {
    %mul3A = arith.constant 640 : i32
    %mul3A_0 = arith.muli %arg1, %mul3A : i32
    %add3A = arith.constant 0 : i32
    %add3A_1 = arith.addi %mul3A_0, %add3A : i32
    "tpu.region"() ({
      %run_scoped3A = tpu.sem_alloc : memref<!tpu.dma_semaphore, #tpu.memory_space<semaphore_mem>>
      %dma_start3A = arith.constant 0 : i32
      %dma_start3A_18 = tpu.memref_slice %arg10[%add3A_1, %dma_start3A] : memref<10240x128xf32, #tpu.memory_space<vmem_shared>> -> memref<128x128xf32, #tpu.memory_space<vmem_shared>>
      tpu.enqueue_dma source(%arg5 : memref<128x128xf32, #tpu.memory_space<hbm>>) target(%dma_start3A_18 : memref<128x128xf32, #tpu.memory_space<vmem_shared>>) target_semaphore(%run_scoped3A : memref<!tpu.dma_semaphore, #tpu.memory_space<semaphore_mem>>)
      %dma_wait3A = arith.constant 0 : i32
      %dma_wait3A_19 = tpu.memref_slice %arg10[%add3A_1, %dma_wait3A] : memref<10240x128xf32, #tpu.memory_space<vmem_shared>> -> memref<128x128xf32, #tpu.memory_space<vmem_shared>>
      tpu.wait_dma2 semaphore(%run_scoped3A : memref<!tpu.dma_semaphore, #tpu.memory_space<semaphore_mem>>) src(%arg5 : memref<128x128xf32, #tpu.memory_space<hbm>>) dst(%dma_wait3A_19 : memref<128x128xf32, #tpu.memory_space<vmem_shared>>)
      tpu.yield
    }) : () -> ()
    %add3A_2 = arith.constant 128 : i32
    %add3A_3 = arith.addi %mul3A_0, %add3A_2 : i32
    "tpu.region"() ({
      %run_scoped3A = tpu.sem_alloc : memref<!tpu.dma_semaphore, #tpu.memory_space<semaphore_mem>>
      %dma_start3A = arith.constant 0 : i32
      %dma_start3A_18 = tpu.memref_slice %arg10[%add3A_3, %dma_start3A] : memref<10240x128xf32, #tpu.memory_space<vmem_shared>> -> memref<128x128xf32, #tpu.memory_space<vmem_shared>>
      tpu.enqueue_dma source(%arg5 : memref<128x128xf32, #tpu.memory_space<hbm>>) target(%dma_start3A_18 : memref<128x128xf32, #tpu.memory_space<vmem_shared>>) target_semaphore(%run_scoped3A : memref<!tpu.dma_semaphore, #tpu.memory_space<semaphore_mem>>)
      %dma_wait3A = arith.constant 0 : i32
      %dma_wait3A_19 = tpu.memref_slice %arg10[%add3A_3, %dma_wait3A] : memref<10240x128xf32, #tpu.memory_space<vmem_shared>> -> memref<128x128xf32, #tpu.memory_space<vmem_shared>>
      tpu.wait_dma2 semaphore(%run_scoped3A : memref<!tpu.dma_semaphore, #tpu.memory_space<semaphore_mem>>) src(%arg5 : memref<128x128xf32, #tpu.memory_space<hbm>>) dst(%dma_wait3A_19 : memref<128x128xf32, #tpu.memory_space<vmem_shared>>)
      tpu.yield
    }) : () -> ()
    %add3A_4 = arith.constant 256 : i32
    %add3A_5 = arith.addi %mul3A_0, %add3A_4 : i32
    "tpu.region"() ({
      %run_scoped3A = tpu.sem_alloc : memref<!tpu.dma_semaphore, #tpu.memory_space<semaphore_mem>>
      %dma_start3A = arith.constant 0 : i32
      %dma_start3A_18 = tpu.memref_slice %arg10[%add3A_5, %dma_start3A] : memref<10240x128xf32, #tpu.memory_space<vmem_shared>> -> memref<128x128xf32, #tpu.memory_space<vmem_shared>>
      tpu.enqueue_dma source(%arg5 : memref<128x128xf32, #tpu.memory_space<hbm>>) target(%dma_start3A_18 : memref<128x128xf32, #tpu.memory_space<vmem_shared>>) target_semaphore(%run_scoped3A : memref<!tpu.dma_semaphore, #tpu.memory_space<semaphore_mem>>)
      %dma_wait3A = arith.constant 0 : i32
      %dma_wait3A_19 = tpu.memref_slice %arg10[%add3A_5, %dma_wait3A] : memref<10240x128xf32, #tpu.memory_space<vmem_shared>> -> memref<128x128xf32, #tpu.memory_space<vmem_shared>>
      tpu.wait_dma2 semaphore(%run_scoped3A : memref<!tpu.dma_semaphore, #tpu.memory_space<semaphore_mem>>) src(%arg5 : memref<128x128xf32, #tpu.memory_space<hbm>>) dst(%dma_wait3A_19 : memref<128x128xf32, #tpu.memory_space<vmem_shared>>)
      tpu.yield
    }) : () -> ()
    %add3A_6 = arith.constant 384 : i32
    %add3A_7 = arith.addi %mul3A_0, %add3A_6 : i32
    "tpu.region"() ({
      %run_scoped3A = tpu.sem_alloc : memref<!tpu.dma_semaphore, #tpu.memory_space<semaphore_mem>>
      %dma_start3A = arith.constant 0 : i32
      %dma_start3A_18 = tpu.memref_slice %arg10[%add3A_7, %dma_start3A] : memref<10240x128xf32, #tpu.memory_space<vmem_shared>> -> memref<128x128xf32, #tpu.memory_space<vmem_shared>>
      tpu.enqueue_dma source(%arg5 : memref<128x128xf32, #tpu.memory_space<hbm>>) target(%dma_start3A_18 : memref<128x128xf32, #tpu.memory_space<vmem_shared>>) target_semaphore(%run_scoped3A : memref<!tpu.dma_semaphore, #tpu.memory_space<semaphore_mem>>)
      %dma_wait3A = arith.constant 0 : i32
      %dma_wait3A_19 = tpu.memref_slice %arg10[%add3A_7, %dma_wait3A] : memref<10240x128xf32, #tpu.memory_space<vmem_shared>> -> memref<128x128xf32, #tpu.memory_space<vmem_shared>>
      tpu.wait_dma2 semaphore(%run_scoped3A : memref<!tpu.dma_semaphore, #tpu.memory_space<semaphore_mem>>) src(%arg5 : memref<128x128xf32, #tpu.memory_space<hbm>>) dst(%dma_wait3A_19 : memref<128x128xf32, #tpu.memory_space<vmem_shared>>)
      tpu.yield
    }) : () -> ()
    %add3A_8 = arith.constant 512 : i32
    %add3A_9 = arith.addi %mul3A_0, %add3A_8 : i32
    "tpu.region"() ({
      %run_scoped3A = tpu.sem_alloc : memref<!tpu.dma_semaphore, #tpu.memory_space<semaphore_mem>>
      %dma_start3A = arith.constant 0 : i32
      %dma_start3A_18 = tpu.memref_slice %arg10[%add3A_9, %dma_start3A] : memref<10240x128xf32, #tpu.memory_space<vmem_shared>> -> memref<128x128xf32, #tpu.memory_space<vmem_shared>>
      tpu.enqueue_dma source(%arg5 : memref<128x128xf32, #tpu.memory_space<hbm>>) target(%dma_start3A_18 : memref<128x128xf32, #tpu.memory_space<vmem_shared>>) target_semaphore(%run_scoped3A : memref<!tpu.dma_semaphore, #tpu.memory_space<semaphore_mem>>)
      %dma_wait3A = arith.constant 0 : i32
      %dma_wait3A_19 = tpu.memref_slice %arg10[%add3A_9, %dma_wait3A] : memref<10240x128xf32, #tpu.memory_space<vmem_shared>> -> memref<128x128xf32, #tpu.memory_space<vmem_shared>>
      tpu.wait_dma2 semaphore(%run_scoped3A : memref<!tpu.dma_semaphore, #tpu.memory_space<semaphore_mem>>) src(%arg5 : memref<128x128xf32, #tpu.memory_space<hbm>>) dst(%dma_wait3A_19 : memref<128x128xf32, #tpu.memory_space<vmem_shared>>)
      tpu.yield
    }) : () -> ()
    %barrier3A = arith.constant 0 : index
    tpu.barrier barrier_id(%barrier3A)
    %mul3A_10 = arith.constant 10240 : i32
    %mul3A_11 = arith.muli %arg1, %mul3A_10 : i32
    %scan3A = arith.constant 0 : i32
    %scan3A_12 = arith.constant 0 : i32
    %scan3A_13 = arith.constant 80 : i32
    %scan3A_14 = arith.addi %scan3A_12, %scan3A_13 : i32
    %scan3A_15 = arith.constant 1 : i32
    scf.for %scan3A_18 = %scan3A_12 to %scan3A_14 step %scan3A_15  : i32 {
      %mul3A_19 = arith.constant 128 : i32
      %mul3A_20 = arith.muli %scan3A_18, %mul3A_19 : i32
      %add3A_21 = arith.addi %mul3A_11, %mul3A_20 : i32
      "tpu.region"() ({
        %run_scoped3A = tpu.sem_alloc : memref<!tpu.dma_semaphore, #tpu.memory_space<semaphore_mem>>
        %dma_start3A_26 = tpu.memref_slice %arg3[%arg0, %add3A_21] : memref<2x163840xi32, #tpu.memory_space<hbm>> -> memref<1x128xi32, #tpu.memory_space<hbm>>
        %dma_start3A_27 = tpu.memref_squeeze %dma_start3A_26 : memref<1x128xi32, #tpu.memory_space<hbm>> -> memref<128xi32, #tpu.memory_space<hbm>>
        %dma_start3A_28 = tpu.memref_slice %arg3[%arg0, %add3A_21] : memref<2x163840xi32, #tpu.memory_space<hbm>> -> memref<1x128xi32, #tpu.memory_space<hbm>>
        %dma_start3A_29 = tpu.memref_squeeze %dma_start3A_28 : memref<1x128xi32, #tpu.memory_space<hbm>> -> memref<128xi32, #tpu.memory_space<hbm>>
        tpu.enqueue_dma source(%dma_start3A_29 : memref<128xi32, #tpu.memory_space<hbm>>) target(%arg7 : memref<128xi32, #tpu.memory_space<vmem>>) target_semaphore(%run_scoped3A : memref<!tpu.dma_semaphore, #tpu.memory_space<semaphore_mem>>)
        %dma_wait3A_30 = tpu.memref_slice %arg3[%arg0, %add3A_21] : memref<2x163840xi32, #tpu.memory_space<hbm>> -> memref<1x128xi32, #tpu.memory_space<hbm>>
        %dma_wait3A_31 = tpu.memref_squeeze %dma_wait3A_30 : memref<1x128xi32, #tpu.memory_space<hbm>> -> memref<128xi32, #tpu.memory_space<hbm>>
        %dma_wait3A_32 = tpu.memref_slice %arg3[%arg0, %add3A_21] : memref<2x163840xi32, #tpu.memory_space<hbm>> -> memref<1x128xi32, #tpu.memory_space<hbm>>
        %dma_wait3A_33 = tpu.memref_squeeze %dma_wait3A_32 : memref<1x128xi32, #tpu.memory_space<hbm>> -> memref<128xi32, #tpu.memory_space<hbm>>
        tpu.wait_dma2 semaphore(%run_scoped3A : memref<!tpu.dma_semaphore, #tpu.memory_space<semaphore_mem>>) src(%dma_wait3A_33 : memref<128xi32, #tpu.memory_space<hbm>>) dst(%arg7 : memref<128xi32, #tpu.memory_space<vmem>>)
        tpu.yield
      }) : () -> ()
      "tpu.region"() ({
        %run_scoped3A = tpu.sem_alloc : memref<!tpu.dma_semaphore, #tpu.memory_space<semaphore_mem>>
        %dma_start3A_26 = tpu.memref_slice %arg4[%add3A_21] : memref<163840xi32, #tpu.memory_space<hbm>> -> memref<128xi32, #tpu.memory_space<hbm>>
        %dma_start3A_27 = tpu.memref_slice %arg4[%add3A_21] : memref<163840xi32, #tpu.memory_space<hbm>> -> memref<128xi32, #tpu.memory_space<hbm>>
        tpu.enqueue_dma source(%dma_start3A_27 : memref<128xi32, #tpu.memory_space<hbm>>) target(%arg8 : memref<128xi32, #tpu.memory_space<vmem>>) target_semaphore(%run_scoped3A : memref<!tpu.dma_semaphore, #tpu.memory_space<semaphore_mem>>)
        %dma_wait3A_28 = tpu.memref_slice %arg4[%add3A_21] : memref<163840xi32, #tpu.memory_space<hbm>> -> memref<128xi32, #tpu.memory_space<hbm>>
        %dma_wait3A_29 = tpu.memref_slice %arg4[%add3A_21] : memref<163840xi32, #tpu.memory_space<hbm>> -> memref<128xi32, #tpu.memory_space<hbm>>
        tpu.wait_dma2 semaphore(%run_scoped3A : memref<!tpu.dma_semaphore, #tpu.memory_space<semaphore_mem>>) src(%dma_wait3A_29 : memref<128xi32, #tpu.memory_space<hbm>>) dst(%arg8 : memref<128xi32, #tpu.memory_space<vmem>>)
        tpu.yield
      }) : () -> ()
      %dma_start3A = arith.constant 0 : i32
      %dma_start3A_22 = arith.constant 0 : i32
      %dma_start3A_23 = tpu.memref_slice %arg2[%dma_start3A, %dma_start3A_22] : memref<20480x128xf32, #tpu.memory_space<hbm>> -> memref<20480x128xf32, #tpu.memory_space<hbm>>
      tpu.enqueue_indirect_dma source(%dma_start3A_23 : memref<20480x128xf32, #tpu.memory_space<hbm>>) target(%arg9 : memref<128x128xf32, #tpu.memory_space<vmem>>) offsets(%arg7 : memref<128xi32, #tpu.memory_space<vmem>>) semaphore(%arg11 : memref<!tpu.dma_semaphore, #tpu.memory_space<semaphore_mem>>)
      %dma_wait3A = arith.constant 0 : i32
      %dma_wait3A_24 = arith.constant 0 : i32
      %dma_wait3A_25 = tpu.memref_slice %arg2[%dma_wait3A, %dma_wait3A_24] : memref<20480x128xf32, #tpu.memory_space<hbm>> -> memref<20480x128xf32, #tpu.memory_space<hbm>>
      tpu.wait_indirect_dma semaphore(%arg11 : memref<!tpu.dma_semaphore, #tpu.memory_space<semaphore_mem>>) src(%dma_wait3A_25 : memref<20480x128xf32, #tpu.memory_space<hbm>>) dst(%arg9 : memref<128x128xf32, #tpu.memory_space<vmem>>)
      "tpu.region"() ({
        %run_scoped3A = tpu.sem_alloc : memref<!tpu.dma_semaphore, #tpu.memory_space<semaphore_mem>>
        %dma_start3A_26 = arith.constant 0 : i32
        %dma_start3A_27 = arith.constant 0 : i32
        %dma_start3A_28 = tpu.memref_slice %arg10[%dma_start3A_26, %dma_start3A_27] : memref<10240x128xf32, #tpu.memory_space<vmem_shared>> -> memref<10240x128xf32, #tpu.memory_space<vmem_shared>>
        tpu.enqueue_indirect_dma source(%arg9 : memref<128x128xf32, #tpu.memory_space<vmem>>) target(%dma_start3A_28 : memref<10240x128xf32, #tpu.memory_space<vmem_shared>>) offsets(%arg8 : memref<128xi32, #tpu.memory_space<vmem>>) semaphore(%run_scoped3A : memref<!tpu.dma_semaphore, #tpu.memory_space<semaphore_mem>>) {add = true}
        %dma_wait3A_29 = arith.constant 0 : i32
        %dma_wait3A_30 = arith.constant 0 : i32
        %dma_wait3A_31 = tpu.memref_slice %arg10[%dma_wait3A_29, %dma_wait3A_30] : memref<10240x128xf32, #tpu.memory_space<vmem_shared>> -> memref<10240x128xf32, #tpu.memory_space<vmem_shared>>
        tpu.wait_indirect_dma semaphore(%run_scoped3A : memref<!tpu.dma_semaphore, #tpu.memory_space<semaphore_mem>>) src(%arg9 : memref<128x128xf32, #tpu.memory_space<vmem>>) dst(%dma_wait3A_31 : memref<10240x128xf32, #tpu.memory_space<vmem_shared>>)
        tpu.yield
      }) : () -> ()
    }
    %scan3A_16 = arith.constant 80 : i32
    %barrier3A_17 = arith.constant 0 : index
    tpu.barrier barrier_id(%barrier3A_17)
    "tpu.region"() ({
      %run_scoped3A = tpu.sem_alloc : memref<!tpu.dma_semaphore, #tpu.memory_space<semaphore_mem>>
      %dma_start3A = arith.constant 0 : i32
      %dma_start3A_18 = tpu.memref_slice %arg6[%arg0, %mul3A_0, %dma_start3A] : memref<2x10240x128xf32, #tpu.memory_space<hbm>> -> memref<1x640x128xf32, #tpu.memory_space<hbm>>
      %dma_start3A_19 = tpu.memref_squeeze %dma_start3A_18 : memref<1x640x128xf32, #tpu.memory_space<hbm>> -> memref<640x128xf32, #tpu.memory_space<hbm>>
      %dma_start3A_20 = arith.constant 0 : i32
      %dma_start3A_21 = tpu.memref_slice %arg10[%mul3A_0, %dma_start3A_20] : memref<10240x128xf32, #tpu.memory_space<vmem_shared>> -> memref<640x128xf32, #tpu.memory_space<vmem_shared>>
      tpu.enqueue_dma source(%dma_start3A_21 : memref<640x128xf32, #tpu.memory_space<vmem_shared>>) target(%dma_start3A_19 : memref<640x128xf32, #tpu.memory_space<hbm>>) target_semaphore(%run_scoped3A : memref<!tpu.dma_semaphore, #tpu.memory_space<semaphore_mem>>)
      %dma_wait3A = arith.constant 0 : i32
      %dma_wait3A_22 = tpu.memref_slice %arg6[%arg0, %mul3A_0, %dma_wait3A] : memref<2x10240x128xf32, #tpu.memory_space<hbm>> -> memref<1x640x128xf32, #tpu.memory_space<hbm>>
      %dma_wait3A_23 = tpu.memref_squeeze %dma_wait3A_22 : memref<1x640x128xf32, #tpu.memory_space<hbm>> -> memref<640x128xf32, #tpu.memory_space<hbm>>
      %dma_wait3A_24 = arith.constant 0 : i32
      %dma_wait3A_25 = tpu.memref_slice %arg10[%mul3A_0, %dma_wait3A_24] : memref<10240x128xf32, #tpu.memory_space<vmem_shared>> -> memref<640x128xf32, #tpu.memory_space<vmem_shared>>
      tpu.wait_dma2 semaphore(%run_scoped3A : memref<!tpu.dma_semaphore, #tpu.memory_space<semaphore_mem>>) src(%dma_wait3A_25 : memref<640x128xf32, #tpu.memory_space<vmem_shared>>) dst(%dma_wait3A_23 : memref<640x128xf32, #tpu.memory_space<hbm>>)
      tpu.yield
    }) : () -> ()
    return
  }
}

module attributes {stable_mosaic.version = 14 : i64} {
  func.func @_mm1_body(%arg0: i32, %arg1: memref<256x256xf32, #tpu.memory_space<vmem>>, %arg2: memref<256x256xf32, #tpu.memory_space<vmem>>, %arg3: memref<2x256xf32, #tpu.memory_space<vmem>>, %arg4: memref<2x256x128xf32, #tpu.memory_space<vmem>>, %arg5: memref<256xf32, #tpu.memory_space<vmem>>) attributes {dimension_semantics = [#tpu.dimension_semantics<arbitrary>], iteration_bounds = array<i64: 40>, scalar_prefetch = 0 : i64, scratch_operands = 0 : i64, tpu.core_type = #tpu.core_type<tc>, window_params = [{transform_indices = @transform_0, window_bounds = array<i64: 256, 256>}, {pipeline_mode = #tpu.pipeline_mode<synchronous>, transform_indices = @transform_1, window_bounds = array<i64: 256, 256>}, {transform_indices = @transform_2, window_bounds = array<i64: 2, 256>}, {transform_indices = @transform_3, window_bounds = array<i64: 2, 256, 128>}, {transform_indices = @transform_4, window_bounds = array<i64: 256>}]} {
    %get3A = arith.constant 0 : index
    %get3A_0 = arith.constant 0 : index
    %get3A_1 = vector.load %arg1[%get3A, %get3A_0] : memref<256x256xf32, #tpu.memory_space<vmem>>, vector<256x256xf32>
    %get3A_2 = arith.constant 0 : index
    %get3A_3 = arith.constant 0 : index
    %get3A_4 = vector.load %arg2[%get3A_2, %get3A_3] : memref<256x256xf32, #tpu.memory_space<vmem>>, vector<256x256xf32>
    %dot_general3A = arith.constant dense<0.000000e+00> : vector<256x256xf32>
    %dot_general3A_5 = tpu.matmul %get3A_1, %get3A_4, %dot_general3A {dimension_numbers = #tpu.dot_dimension_numbers<[1], [0], [0], [1], [0, 0, 1, 1], [], []>, transpose_lhs_hint = false} : vector<256x256xf32>, vector<256x256xf32>, vector<256x256xf32> -> vector<256x256xf32>
    %get3A_6 = arith.constant 0 : index
    %get3A_7 = arith.constant 0 : index
    %get3A_8 = vector.load %arg3[%get3A_6, %get3A_7] : memref<2x256xf32, #tpu.memory_space<vmem>>, vector<1x256xf32>
    %get3A_9 = vector.shape_cast %get3A_8 : vector<1x256xf32> to vector<256xf32>
    %get3A_10 = arith.constant 1 : index
    %get3A_11 = arith.constant 0 : index
    %get3A_12 = vector.load %arg3[%get3A_10, %get3A_11] : memref<2x256xf32, #tpu.memory_space<vmem>>, vector<1x256xf32>
    %get3A_13 = vector.shape_cast %get3A_12 : vector<1x256xf32> to vector<256xf32>
    %add3A = arith.addf %get3A_9, %get3A_13 : vector<256xf32>
    %add3A_14 = arith.constant 1.000000e+00 : f32
    %add3A_15 = vector.broadcast %add3A_14 : f32 to vector<256xf32>
    %add3A_16 = arith.addf %add3A, %add3A_15 : vector<256xf32>
    %rsqrt3A = math.rsqrt %add3A_16 : vector<256xf32>
    %broadcast_in_dim3A = vector.shape_cast %rsqrt3A : vector<256xf32> to vector<256x1xf32>
    %mul3A = vector.broadcast %broadcast_in_dim3A : vector<256x1xf32> to vector<256x256xf32>
    %mul3A_17 = arith.mulf %dot_general3A_5, %mul3A : vector<256x256xf32>
    %slice3A = vector.extract_strided_slice %mul3A_17 {offsets = [0, 0], sizes = [256, 128], strides = [1, 1]} : vector<256x256xf32> to vector<256x128xf32>
    %swap3A = arith.constant 0 : index
    %swap3A_18 = arith.constant 0 : index
    %swap3A_19 = arith.constant 0 : index
    %swap3A_20 = vector.load %arg4[%swap3A, %swap3A_18, %swap3A_19] : memref<2x256x128xf32, #tpu.memory_space<vmem>>, vector<1x256x128xf32>
    %swap3A_21 = vector.shape_cast %swap3A_20 : vector<1x256x128xf32> to vector<256x128xf32>
    %swap3A_22 = vector.shape_cast %slice3A : vector<256x128xf32> to vector<1x256x128xf32>
    tpu.vector_store %arg4[%swap3A, %swap3A_18, %swap3A_19], %swap3A_22 {strides = array<i32>} : memref<2x256x128xf32, #tpu.memory_space<vmem>>, vector<1x256x128xf32>,
    %slice3A_23 = vector.extract_strided_slice %mul3A_17 {offsets = [0, 128], sizes = [256, 128], strides = [1, 1]} : vector<256x256xf32> to vector<256x128xf32>
    %swap3A_24 = arith.constant 1 : index
    %swap3A_25 = arith.constant 0 : index
    %swap3A_26 = arith.constant 0 : index
    %swap3A_27 = vector.load %arg4[%swap3A_24, %swap3A_25, %swap3A_26] : memref<2x256x128xf32, #tpu.memory_space<vmem>>, vector<1x256x128xf32>
    %swap3A_28 = vector.shape_cast %swap3A_27 : vector<1x256x128xf32> to vector<256x128xf32>
    %swap3A_29 = vector.shape_cast %slice3A_23 : vector<256x128xf32> to vector<1x256x128xf32>
    tpu.vector_store %arg4[%swap3A_24, %swap3A_25, %swap3A_26], %swap3A_29 {strides = array<i32>} : memref<2x256x128xf32, #tpu.memory_space<vmem>>, vector<1x256x128xf32>,
    %swap3A_30 = arith.constant 0 : index
    %swap3A_31 = vector.load %arg5[%swap3A_30] : memref<256xf32, #tpu.memory_space<vmem>>, vector<256xf32>
    tpu.vector_store %arg5[%swap3A_30], %rsqrt3A {strides = array<i32>} : memref<256xf32, #tpu.memory_space<vmem>>, vector<256xf32>,
    return
  }
  func.func @transform_0(%arg0: i32) -> (i32, i32) {
    %c0_i32 = arith.constant 0 : i32
    %c0_i32_0 = arith.constant 0 : i32
    return %arg0, %c0_i32 : i32, i32
  }
  func.func @transform_1(%arg0: i32) -> (i32, i32) {
    %c0_i32 = arith.constant 0 : i32
    %c0_i32_0 = arith.constant 0 : i32
    %c0_i32_1 = arith.constant 0 : i32
    return %c0_i32, %c0_i32_0 : i32, i32
  }
  func.func @transform_2(%arg0: i32) -> (i32, i32) {
    %c0_i32 = arith.constant 0 : i32
    %c0_i32_0 = arith.constant 0 : i32
    return %c0_i32, %arg0 : i32, i32
  }
  func.func @transform_3(%arg0: i32) -> (i32, i32, i32) {
    %c0_i32 = arith.constant 0 : i32
    %c0_i32_0 = arith.constant 0 : i32
    %c0_i32_1 = arith.constant 0 : i32
    return %c0_i32, %arg0, %c0_i32_0 : i32, i32, i32
  }
  func.func @transform_4(%arg0: i32) -> i32 {
    %c0_i32 = arith.constant 0 : i32
    return %arg0 : i32
  }
}

module attributes {stable_mosaic.version = 14 : i64} {
  func.func @_mm2_body(%arg0: i32, %arg1: memref<2x256x128xf32, #tpu.memory_space<vmem>>, %arg2: memref<2x256x128xf32, #tpu.memory_space<vmem>>, %arg3: memref<256xf32, #tpu.memory_space<vmem>>, %arg4: memref<2x128xf32, #tpu.memory_space<vmem>>, %arg5: memref<2x128x16xf32, #tpu.memory_space<vmem>>, %arg6: memref<256x128xf32, #tpu.memory_space<vmem>>) attributes {dimension_semantics = [#tpu.dimension_semantics<arbitrary>], iteration_bounds = array<i64: 40>, scalar_prefetch = 0 : i64, scratch_operands = 0 : i64, tpu.core_type = #tpu.core_type<tc>, window_params = [{transform_indices = @transform_0, window_bounds = array<i64: 2, 256, 128>}, {transform_indices = @transform_1, window_bounds = array<i64: 2, 256, 128>}, {transform_indices = @transform_2, window_bounds = array<i64: 256>}, {pipeline_mode = #tpu.pipeline_mode<synchronous>, transform_indices = @transform_3, window_bounds = array<i64: 2, 128>}, {pipeline_mode = #tpu.pipeline_mode<synchronous>, transform_indices = @transform_4, window_bounds = array<i64: 2, 128, 16>}, {transform_indices = @transform_5, window_bounds = array<i64: 256, 128>}]} {
    %get3A = arith.constant 0 : index
    %get3A_0 = vector.load %arg3[%get3A] : memref<256xf32, #tpu.memory_space<vmem>>, vector<256xf32>
    %broadcast_in_dim3A = vector.shape_cast %get3A_0 : vector<256xf32> to vector<256x1xf32>
    %get3A_1 = arith.constant 0 : index
    %get3A_2 = arith.constant 0 : index
    %get3A_3 = arith.constant 0 : index
    %get3A_4 = vector.load %arg1[%get3A_1, %get3A_2, %get3A_3] : memref<2x256x128xf32, #tpu.memory_space<vmem>>, vector<1x256x128xf32>
    %get3A_5 = vector.shape_cast %get3A_4 : vector<1x256x128xf32> to vector<256x128xf32>
    %get3A_6 = arith.constant 0 : index
    %get3A_7 = arith.constant 0 : index
    %get3A_8 = arith.constant 0 : index
    %get3A_9 = vector.load %arg2[%get3A_6, %get3A_7, %get3A_8] : memref<2x256x128xf32, #tpu.memory_space<vmem>>, vector<1x256x128xf32>
    %get3A_10 = vector.shape_cast %get3A_9 : vector<1x256x128xf32> to vector<256x128xf32>
    %add3A = arith.addf %get3A_5, %get3A_10 : vector<256x128xf32>
    %mul3A = vector.broadcast %broadcast_in_dim3A : vector<256x1xf32> to vector<256x128xf32>
    %mul3A_11 = arith.mulf %mul3A, %add3A : vector<256x128xf32>
    %get3A_12 = arith.constant 0 : index
    %get3A_13 = arith.constant 0 : index
    %get3A_14 = vector.load %arg4[%get3A_12, %get3A_13] : memref<2x128xf32, #tpu.memory_space<vmem>>, vector<1x128xf32>
    %get3A_15 = vector.shape_cast %get3A_14 : vector<1x128xf32> to vector<128xf32>
    %broadcast_in_dim3A_16 = vector.shape_cast %get3A_15 : vector<128xf32> to vector<1x128xf32>
    %add3A_17 = vector.broadcast %broadcast_in_dim3A_16 : vector<1x128xf32> to vector<256x128xf32>
    %add3A_18 = arith.addf %mul3A_11, %add3A_17 : vector<256x128xf32>
    %max3A = arith.constant 0.000000e+00 : f32
    %max3A_19 = vector.broadcast %max3A : f32 to vector<256x128xf32>
    %max3A_20 = arith.maximumf %add3A_18, %max3A_19 : vector<256x128xf32>
    %broadcast_in_dim3A_21 = vector.shape_cast %get3A_0 : vector<256xf32> to vector<256x1xf32>
    %get3A_22 = arith.constant 1 : index
    %get3A_23 = arith.constant 0 : index
    %get3A_24 = arith.constant 0 : index
    %get3A_25 = vector.load %arg1[%get3A_22, %get3A_23, %get3A_24] : memref<2x256x128xf32, #tpu.memory_space<vmem>>, vector<1x256x128xf32>
    %get3A_26 = vector.shape_cast %get3A_25 : vector<1x256x128xf32> to vector<256x128xf32>
    %get3A_27 = arith.constant 1 : index
    %get3A_28 = arith.constant 0 : index
    %get3A_29 = arith.constant 0 : index
    %get3A_30 = vector.load %arg2[%get3A_27, %get3A_28, %get3A_29] : memref<2x256x128xf32, #tpu.memory_space<vmem>>, vector<1x256x128xf32>
    %get3A_31 = vector.shape_cast %get3A_30 : vector<1x256x128xf32> to vector<256x128xf32>
    %add3A_32 = arith.addf %get3A_26, %get3A_31 : vector<256x128xf32>
    %mul3A_33 = vector.broadcast %broadcast_in_dim3A_21 : vector<256x1xf32> to vector<256x128xf32>
    %mul3A_34 = arith.mulf %mul3A_33, %add3A_32 : vector<256x128xf32>
    %get3A_35 = arith.constant 1 : index
    %get3A_36 = arith.constant 0 : index
    %get3A_37 = vector.load %arg4[%get3A_35, %get3A_36] : memref<2x128xf32, #tpu.memory_space<vmem>>, vector<1x128xf32>
    %get3A_38 = vector.shape_cast %get3A_37 : vector<1x128xf32> to vector<128xf32>
    %broadcast_in_dim3A_39 = vector.shape_cast %get3A_38 : vector<128xf32> to vector<1x128xf32>
    %add3A_40 = vector.broadcast %broadcast_in_dim3A_39 : vector<1x128xf32> to vector<256x128xf32>
    %add3A_41 = arith.addf %mul3A_34, %add3A_40 : vector<256x128xf32>
    %max3A_42 = arith.constant 0.000000e+00 : f32
    %max3A_43 = vector.broadcast %max3A_42 : f32 to vector<256x128xf32>
    %max3A_44 = arith.maximumf %add3A_41, %max3A_43 : vector<256x128xf32>
    %get3A_45 = arith.constant 0 : index
    %get3A_46 = arith.constant 0 : index
    %get3A_47 = arith.constant 0 : index
    %get3A_48 = vector.load %arg5[%get3A_45, %get3A_46, %get3A_47] : memref<2x128x16xf32, #tpu.memory_space<vmem>>, vector<1x128x16xf32>
    %get3A_49 = vector.shape_cast %get3A_48 : vector<1x128x16xf32> to vector<128x16xf32>
    %dot_general3A = arith.constant dense<0.000000e+00> : vector<256x16xf32>
    %dot_general3A_50 = tpu.matmul %max3A_20, %get3A_49, %dot_general3A {dimension_numbers = #tpu.dot_dimension_numbers<[1], [0], [0], [1], [0, 0, 1, 1], [], []>, transpose_lhs_hint = false} : vector<256x128xf32>, vector<128x16xf32>, vector<256x16xf32> -> vector<256x16xf32>
    %get3A_51 = arith.constant 1 : index
    %get3A_52 = arith.constant 0 : index
    %get3A_53 = arith.constant 0 : index
    %get3A_54 = vector.load %arg5[%get3A_51, %get3A_52, %get3A_53] : memref<2x128x16xf32, #tpu.memory_space<vmem>>, vector<1x128x16xf32>
    %get3A_55 = vector.shape_cast %get3A_54 : vector<1x128x16xf32> to vector<128x16xf32>
    %dot_general3A_56 = arith.constant dense<0.000000e+00> : vector<256x16xf32>
    %dot_general3A_57 = tpu.matmul %max3A_44, %get3A_55, %dot_general3A_56 {dimension_numbers = #tpu.dot_dimension_numbers<[1], [0], [0], [1], [0, 0, 1, 1], [], []>, transpose_lhs_hint = false} : vector<256x128xf32>, vector<128x16xf32>, vector<256x16xf32> -> vector<256x16xf32>
    %add3A_58 = arith.addf %dot_general3A_50, %dot_general3A_57 : vector<256x16xf32>
    %broadcast_in_dim3A_59 = vector.shape_cast %get3A_0 : vector<256xf32> to vector<256x1xf32>
    %mul3A_60 = vector.broadcast %broadcast_in_dim3A_59 : vector<256x1xf32> to vector<256x16xf32>
    %mul3A_61 = arith.mulf %add3A_58, %mul3A_60 : vector<256x16xf32>
    %broadcast_in_dim3A_62 = arith.constant 0.000000e+00 : f32
    %broadcast_in_dim3A_63 = vector.broadcast %broadcast_in_dim3A_62 : f32 to vector<256x112xf32>
    %concatenate3A = tpu.concatenate %mul3A_61, %broadcast_in_dim3A_63 in 1 : vector<256x16xf32>, vector<256x112xf32> -> vector<256x128xf32>
    %swap3A = arith.constant 0 : index
    %swap3A_64 = arith.constant 0 : index
    %swap3A_65 = vector.load %arg6[%swap3A, %swap3A_64] : memref<256x128xf32, #tpu.memory_space<vmem>>, vector<256x128xf32>
    tpu.vector_store %arg6[%swap3A, %swap3A_64], %concatenate3A {strides = array<i32>} : memref<256x128xf32, #tpu.memory_space<vmem>>, vector<256x128xf32>,
    return
  }
  func.func @transform_0(%arg0: i32) -> (i32, i32, i32) {
    %c0_i32 = arith.constant 0 : i32
    %c0_i32_0 = arith.constant 0 : i32
    %c0_i32_1 = arith.constant 0 : i32
    return %c0_i32, %arg0, %c0_i32_0 : i32, i32, i32
  }
  func.func @transform_1(%arg0: i32) -> (i32, i32, i32) {
    %c0_i32 = arith.constant 0 : i32
    %c0_i32_0 = arith.constant 0 : i32
    %c0_i32_1 = arith.constant 0 : i32
    return %c0_i32, %arg0, %c0_i32_0 : i32, i32, i32
  }
  func.func @transform_2(%arg0: i32) -> i32 {
    %c0_i32 = arith.constant 0 : i32
    return %arg0 : i32
  }
  func.func @transform_3(%arg0: i32) -> (i32, i32) {
    %c0_i32 = arith.constant 0 : i32
    %c0_i32_0 = arith.constant 0 : i32
    %c0_i32_1 = arith.constant 0 : i32
    return %c0_i32, %c0_i32_0 : i32, i32
  }
  func.func @transform_4(%arg0: i32) -> (i32, i32, i32) {
    %c0_i32 = arith.constant 0 : i32
    %c0_i32_0 = arith.constant 0 : i32
    %c0_i32_1 = arith.constant 0 : i32
    %c0_i32_2 = arith.constant 0 : i32
    return %c0_i32, %c0_i32_0, %c0_i32_1 : i32, i32, i32
  }
  func.func @transform_5(%arg0: i32) -> (i32, i32) {
    %c0_i32 = arith.constant 0 : i32
    %c0_i32_0 = arith.constant 0 : i32
    return %arg0, %c0_i32 : i32, i32
  }
}

module attributes {stable_mosaic.version = 14 : i64} {
  func.func @_fin_body(%arg0: i32, %arg1: memref<2x256x128xf32, #tpu.memory_space<vmem>>, %arg2: memref<256x128xf32, #tpu.memory_space<vmem>>, %arg3: memref<256xf32, #tpu.memory_space<vmem>>, %arg4: memref<1x128xf32, #tpu.memory_space<vmem>>, %arg5: memref<256x128xf32, #tpu.memory_space<vmem>>) attributes {dimension_semantics = [#tpu.dimension_semantics<arbitrary>], iteration_bounds = array<i64: 40>, scalar_prefetch = 0 : i64, scratch_operands = 0 : i64, tpu.core_type = #tpu.core_type<tc>, window_params = [{transform_indices = @transform_0, window_bounds = array<i64: 2, 256, 128>}, {transform_indices = @transform_1, window_bounds = array<i64: 256, 128>}, {transform_indices = @transform_2, window_bounds = array<i64: 256>}, {pipeline_mode = #tpu.pipeline_mode<synchronous>, transform_indices = @transform_3, window_bounds = array<i64: 1, 128>}, {transform_indices = @transform_4, window_bounds = array<i64: 256, 128>}]} {
    %get3A = arith.constant 0 : index
    %get3A_0 = vector.load %arg3[%get3A] : memref<256xf32, #tpu.memory_space<vmem>>, vector<256xf32>
    %broadcast_in_dim3A = vector.shape_cast %get3A_0 : vector<256xf32> to vector<256x1xf32>
    %get3A_1 = arith.constant 0 : index
    %get3A_2 = arith.constant 0 : index
    %get3A_3 = arith.constant 0 : index
    %get3A_4 = vector.load %arg1[%get3A_1, %get3A_2, %get3A_3] : memref<2x256x128xf32, #tpu.memory_space<vmem>>, vector<1x256x128xf32>
    %get3A_5 = vector.shape_cast %get3A_4 : vector<1x256x128xf32> to vector<256x128xf32>
    %get3A_6 = arith.constant 1 : index
    %get3A_7 = arith.constant 0 : index
    %get3A_8 = arith.constant 0 : index
    %get3A_9 = vector.load %arg1[%get3A_6, %get3A_7, %get3A_8] : memref<2x256x128xf32, #tpu.memory_space<vmem>>, vector<1x256x128xf32>
    %get3A_10 = vector.shape_cast %get3A_9 : vector<1x256x128xf32> to vector<256x128xf32>
    %add3A = arith.addf %get3A_5, %get3A_10 : vector<256x128xf32>
    %get3A_11 = arith.constant 0 : index
    %get3A_12 = arith.constant 0 : index
    %get3A_13 = vector.load %arg2[%get3A_11, %get3A_12] : memref<256x128xf32, #tpu.memory_space<vmem>>, vector<256x128xf32>
    %add3A_14 = arith.addf %add3A, %get3A_13 : vector<256x128xf32>
    %mul3A = vector.broadcast %broadcast_in_dim3A : vector<256x1xf32> to vector<256x128xf32>
    %mul3A_15 = arith.mulf %mul3A, %add3A_14 : vector<256x128xf32>
    %get3A_16 = arith.constant 0 : index
    %get3A_17 = arith.constant 0 : index
    %get3A_18 = vector.load %arg4[%get3A_16, %get3A_17] : memref<1x128xf32, #tpu.memory_space<vmem>>, vector<1x128xf32>
    %add3A_19 = vector.broadcast %get3A_18 : vector<1x128xf32> to vector<256x128xf32>
    %add3A_20 = arith.addf %mul3A_15, %add3A_19 : vector<256x128xf32>
    %iota3A = tpu.iota {dimensions = array<i32: 1>} : vector<256x128xi32>
    %lt3A = arith.constant 7 : i32
    %lt3A_21 = vector.broadcast %lt3A : i32 to vector<256x128xi32>
    %lt3A_22 = arith.cmpi slt, %iota3A, %lt3A_21 : vector<256x128xi32>
    %broadcast_in_dim3A_23 = arith.constant 0xFF800000 : f32
    %broadcast_in_dim3A_24 = vector.broadcast %broadcast_in_dim3A_23 : f32 to vector<256x128xf32>
    %select_n3A = arith.select %lt3A_22, %add3A_20, %broadcast_in_dim3A_24 : vector<256x128xi1>, vector<256x128xf32>
    %reduce_max3A = arith.constant dense<0xFF800000> : vector<256xf32>
    %reduce_max3A_25 = vector.multi_reduction <maximumf>, %select_n3A, %reduce_max3A [1] : vector<256x128xf32> to vector<256xf32>
    %broadcast_in_dim3A_26 = vector.shape_cast %reduce_max3A_25 : vector<256xf32> to vector<256x1xf32>
    %sub3A = vector.broadcast %broadcast_in_dim3A_26 : vector<256x1xf32> to vector<256x128xf32>
    %sub3A_27 = arith.subf %add3A_20, %sub3A : vector<256x128xf32>
    %exp3A = math.exp %sub3A_27 : vector<256x128xf32>
    %jit3A = arith.constant 0.000000e+00 : f32
    %broadcast_in_dim3A_28 = vector.broadcast %jit3A : f32 to vector<256x128xf32>
    %select_n3A_29 = arith.select %lt3A_22, %exp3A, %broadcast_in_dim3A_28 : vector<256x128xi1>, vector<256x128xf32>
    %reduce_sum3A = arith.constant dense<0.000000e+00> : vector<256xf32>
    %reduce_sum3A_30 = vector.multi_reduction <add>, %select_n3A_29, %reduce_sum3A [1] : vector<256x128xf32> to vector<256xf32>
    %broadcast_in_dim3A_31 = vector.shape_cast %reduce_sum3A_30 : vector<256xf32> to vector<256x1xf32>
    %log3A = math.log %broadcast_in_dim3A_31 : vector<256x1xf32>
    %add3A_32 = arith.addf %broadcast_in_dim3A_26, %log3A : vector<256x1xf32>
    %sub3A_33 = vector.broadcast %add3A_32 : vector<256x1xf32> to vector<256x128xf32>
    %sub3A_34 = arith.subf %add3A_20, %sub3A_33 : vector<256x128xf32>
    %swap3A = arith.constant 0 : index
    %swap3A_35 = arith.constant 0 : index
    %swap3A_36 = vector.load %arg5[%swap3A, %swap3A_35] : memref<256x128xf32, #tpu.memory_space<vmem>>, vector<256x128xf32>
    tpu.vector_store %arg5[%swap3A, %swap3A_35], %sub3A_34 {strides = array<i32>} : memref<256x128xf32, #tpu.memory_space<vmem>>, vector<256x128xf32>,
    return
  }
  func.func @transform_0(%arg0: i32) -> (i32, i32, i32) {
    %c0_i32 = arith.constant 0 : i32
    %c0_i32_0 = arith.constant 0 : i32
    %c0_i32_1 = arith.constant 0 : i32
    return %c0_i32, %arg0, %c0_i32_0 : i32, i32, i32
  }
  func.func @transform_1(%arg0: i32) -> (i32, i32) {
    %c0_i32 = arith.constant 0 : i32
    %c0_i32_0 = arith.constant 0 : i32
    return %arg0, %c0_i32 : i32, i32
  }
  func.func @transform_2(%arg0: i32) -> i32 {
    %c0_i32 = arith.constant 0 : i32
    return %arg0 : i32
  }
  func.func @transform_3(%arg0: i32) -> (i32, i32) {
    %c0_i32 = arith.constant 0 : i32
    %c0_i32_0 = arith.constant 0 : i32
    %c0_i32_1 = arith.constant 0 : i32
    return %c0_i32, %c0_i32_0 : i32, i32
  }
  func.func @transform_4(%arg0: i32) -> (i32, i32) {
    %c0_i32 = arith.constant 0 : i32
    %c0_i32_0 = arith.constant 0 : i32
    return %arg0, %c0_i32 : i32, i32
  }
}

</mosaic_0001>

<sc_bundles>
// kernel: kernel.11.cloned.1.call-start
scs
__scs_entry_jumppad:
0x0: {  	(pc) =	sbr.rel $0x88, $3  }
0x1: {  	(tag) =	ssettag $0x0;
	lr =	simm.s32 $0x1  }
0x2: {  	[smem:$0x3F9B] =	sst lr;
	_ =	strace $0xD0000000  }
0x3: {  	_ = 	snop  }
0x4: {  	_ = 	snop  }
0x5: {  	_ = 	snop  }
0x6: {  	_ = 	snop  }
0x7: {  	_ = 	snop  }
__scs_overlays_trampoline_lowered:
0x8: {  	[smem:$0x3FAA] =	sst s0  }
0x9: {  	[smem:$0x3FAB] =	sst s1  }
0xa: {  	[smem:$0x3FAC] =	sst s2  }
0xb: {  	[smem:$0x3FAD] =	sst s3  }
0xc: {  	[smem:$0x3FAE] =	sst s4  }
0xd: {  	[smem:$0x3FAF] =	sst s5  }
0xe: {  	[smem:$0x3FB0] =	sst s6  }
0xf: {  	[smem:$0x3FB1] =	sst s7  }
0x10: {  	[smem:$0x3FB2] =	sst s8  }
0x11: {  	[smem:$0x3FB3] =	sst s9;
	s0 =	simm.s32 @!p0 $0x0  }
0x12: {  	s1 =	sld [smem:$0x3F99];
	s0 =	simm.s32 @p0 $0x1  }
0x13: {  	[smem:$0x3FB4] =	sst s0;
	s0 =	simm.s32 @!p1 $0x0  }
0x14: {  	s2 =	sld [smem:$0x3F98];
	s0 =	simm.s32 @p1 $0x1  }
0x15: {  	[smem:$0x3FB5] =	sst s0;
	s0 =	simm.s32 @!p2 $0x0  }
0x16: {  	s3 =	sld [smem:$0x3FDB];
	s0 =	simm.s32 @p2 $0x1  }
0x17: {  	s4 =	simm.s32 $0x1BF5;
	[smem:$0x3FB7] =	sst s0  }
0x18: {  	s0 =	sld [smem:$0x3F9A];
	_ =	swait.ge [sflag:s4], $0x0  }
0x19: {  	s7 =	sld [smem:$0x3F9B]  }
0x1a: {  	s8 =	sadd.s32 $0xFFFFE003, lr  }
0x1b: {  	s9 =	sadd.s32 $0xFFFFFEF7, lr;
	s5 =	simm.s32 $0xFFFFFFFF;
	p2 =	slt.u32 s8, $0xFFFFF086  }
0x1c: {  	p1 =	slt.u32 s9, $0xF7A;
	s5 =	simm.s32 @!p2 $0x0  }
0x1d: {  	s5 =	simm.s32 @p1 $0x1;
	p0 =	seq.s32 s7, s2  }
0x1e: {  	s7 =	smul.u32 @!p0 $0xF7A, s2;
	p2 =	seq.s32 @!p0 s5, $0x0  }
0x1f: {  	s9 =	smul.u32 $0xF7A, s1;
	s8 =	simm.s32 @!p0 $0x1BF5;
	p2 =	por !p2, p0  }
0x20: {  	[sflag:s8] =	ssyncset.s32 @!p0 $0xFFFFF086;
	s6 =	sadd.s32 @!p0 s3, s7;
	s7 =	simm.s32 @!p0 $0x108  }
0x21: {  	s3 =	sadd.s32 s3, s9;
	s6 =	sadd.s32 @!p0 $0x88, s6;
	s7 =	simm.s32 @p2 $0x1082  }
0x22: {  	[simem:s7], [sflag:s8] =	dma.local @!p0 [hbm:s6], $0xF7A  }
0x23: {  	s9 =	sor.u32 $0xD0000000, s2;
	s6 =	simm.s32 $0x108;
	_ =	swait.ge @!p0 [sflag:s8], $0x0  }
0x24: {  	s3 =	sadd.s32 $0x88, s3;
	s6 =	simm.s32 @!p1 $0x1082;
	[sflag:s4] =	ssyncset.s32 $0xFFFFF086  }
0x25: {  	[simem:s6], [sflag:s4] =	dma.local [hbm:s3], $0xF7A  }
0x26: {  	[smem:$0x3F9B] =	sst s1;
	(tag) =	ssettag s2;
	_ =	strace s9  }
0x27: {  	s1 =	sld [smem:$0x3FAB]  }
0x28: {  	s2 =	sld [smem:$0x3FAC]  }
0x29: {  	s4 =	sld [smem:$0x3FAE]  }
0x2a: {  	p0 =	seq.s32 s5, $0x0;
	s5 =	sld [smem:$0x3FAF]  }
0x2b: {  	s6 =	sld [smem:$0x3FB0]  }
0x2c: {  	s7 =	sld [smem:$0x3FB1]  }
0x2d: {  	s3 =	simm.s32 $0x108;
	s8 =	sld [smem:$0x3FB2]  }
0x2e: {  	s3 =	simm.s32 @!p0 $0x1082;
	s9 =	sld [smem:$0x3FB3]  }
0x2f: {  	lr =	sadd.s32 s0, s3;
	s0 =	sld [smem:$0x3FAA]  }
0x30: {  	s3 =	sld [smem:$0x3FAD]  }
0x31: {  	[smem:$0x3FB6] =	sst s10  }
0x32: {  	s10 =	sld [smem:$0x3FB4];
	_ =	sdelay $0x3  }
0x33: {  	p0 =	seq.s32 s10, $0x1;
	s10 =	sld [smem:$0x3FB6];
	_ =	sdelay $0x3  }
0x34: {  	[smem:$0x3FB6] =	sst s10  }
0x35: {  	s10 =	sld [smem:$0x3FB5];
	_ =	sdelay $0x3  }
0x36: {  	p1 =	seq.s32 s10, $0x1;
	s10 =	sld [smem:$0x3FB6];
	_ =	sdelay $0x3  }
0x37: {  	[smem:$0x3FB6] =	sst s10  }
0x38: {  	s10 =	sld [smem:$0x3FB7]  }
0x39: {  	_ = 	snop;
	(pc) =	sbr.ind lr, $3  }
0x3a: {  	_ = 	snop  }
0x3b: {  	_ = 	snop  }
0x3c: {  	p2 =	seq.s32 s10, $0x1;
	s10 =	sld [smem:$0x3FB6]  }
0x3d: {  	_ =	shalt  }
0x3e: {  	_ =	shalt  }
0x3f: {  	_ =	shalt  }
0x40: {  	_ =	shalt  }
0x41: {  	_ =	shalt  }
0x42: {  	_ =	shalt  }
0x43: {  	_ =	shalt  }
0x44: {  	_ =	shalt  }
0x45: {  	_ =	shalt  }
0x46: {  	_ =	shalt  }
0x47: {  	_ =	shalt  }
0x48: {  	_ =	shalt  }
0x49: {  	_ =	shalt  }
0x4a: {  	_ =	shalt  }
0x4b: {  	_ =	shalt  }
0x4c: {  	_ =	shalt  }
0x4d: {  	_ =	shalt  }
0x4e: {  	_ =	shalt  }
0x4f: {  	_ =	shalt  }
0x50: {  	_ =	shalt  }
0x51: {  	_ =	shalt  }
0x52: {  	_ =	shalt  }
0x53: {  	_ =	shalt  }
0x54: {  	_ =	shalt  }
0x55: {  	_ =	shalt  }
0x56: {  	_ =	shalt  }
0x57: {  	_ =	shalt  }
0x58: {  	_ =	shalt  }
0x59: {  	_ =	shalt  }
0x5a: {  	_ =	shalt  }
0x5b: {  	_ =	shalt  }
0x5c: {  	_ =	shalt  }
0x5d: {  	_ =	shalt  }
0x5e: {  	_ =	shalt  }
0x5f: {  	_ =	shalt  }
0x60: {  	_ =	shalt  }
0x61: {  	_ =	shalt  }
0x62: {  	_ =	shalt  }
0x63: {  	_ =	shalt  }
0x64: {  	_ =	shalt  }
0x65: {  	_ =	shalt  }
0x66: {  	_ =	shalt  }
0x67: {  	_ =	shalt  }
0x68: {  	_ =	shalt  }
0x69: {  	_ =	shalt  }
0x6a: {  	_ =	shalt  }
0x6b: {  	_ =	shalt  }
0x6c: {  	_ =	shalt  }
0x6d: {  	_ =	shalt  }
0x6e: {  	_ =	shalt  }
0x6f: {  	_ =	shalt  }
0x70: {  	_ =	shalt  }
0x71: {  	_ =	shalt  }
0x72: {  	_ =	shalt  }
0x73: {  	_ =	shalt  }
0x74: {  	_ =	shalt  }
0x75: {  	_ =	shalt  }
0x76: {  	_ =	shalt  }
0x77: {  	_ =	shalt  }
0x78: {  	_ =	shalt  }
0x79: {  	_ =	shalt  }
0x7a: {  	_ =	shalt  }
0x7b: {  	_ =	shalt  }
0x7c: {  	_ =	shalt  }
0x7d: {  	_ =	shalt  }
0x7e: {  	_ =	shalt  }
0x7f: {  	_ =	shalt  }
0x80: {  	_ =	shalt  }
0x81: {  	_ =	shalt  }
0x82: {  	_ =	shalt  }
0x83: {  	_ =	shalt  }
0x84: {  	_ =	shalt  }
0x85: {  	_ =	shalt  }
0x86: {  	_ =	shalt  }
0x87: {  	_ =	shalt  }
.Lfunc_end0:
.L_simem_size_0:
called_computation.1_lowered:
.L_overlay_start_0:
0x88: {  	s2 =	sld [smem:$0x3FD9]  }
0x89: {  	s3 =	sld [smem:$0x3FFE];
	_ =	sdelay $0x1  }
0x8a: {  	s1 =	srdreg.scid  }
0x8b: {  	s0 =	sand.u32 $0x1, s1  }
0x8c: {  	s16 =	sshll.u32 s0, $0xA;
	s2 =	sadd.s32 s3, s2  }
0x8d: {  	s2 =	sadd.s32 s2, s16  }
0x8e: {  	[smem:$0x3FC2] =	sst s2  }
0x8f: {  	_ = 	snop  }
0x90: {  	(tm) =	ssettm $0x1  }
0x91: {  	s17 =	sld [smem:$0x3FFB];
	_ =	sdelay $0x3  }
0x92: {  	_ =	strace s17  }
0x93: {  	s2 =	sld [smem:$0x3FFC];
	_ =	sdelay $0x3  }
0x94: {  	_ =	strace s2  }
0x95: {  	s2 =	sld [smem:$0x3FFD];
	_ =	sdelay $0x3  }
0x96: {  	_ =	strace s2  }
0x97: {  	_ =	strace $0x8FFFFFFF  }
0x98: {  	s18 =	sld [smem:$0x3FDB];
	_ =	sdelay $0x1  }
0x99: {  	s19 =	simm.s32 $_scs_section_size  }
0x9a: {  	s4 =	simm.s32 $_size__tile_overlayer_lowered;
	s5 =	simm.s32 $_tile_overlayer_lowered  }
0x9b: {  	s22 =	simm.s32 $0x1BFF;
	s21 =	sshll.u32 s5, $0x1;
	s2 =	sadd.s32 s19, s18  }
0x9c: {  	s6 =	simm.s32 $0x0;
	s20 =	sshll.u32 s4, $0x1;
	s4 =	sadd.s32 s21, s2  }
0x9d: {  	[timem:s6], [sflag:s22] =	dma.local [hbm:s4], s20  }
0x9e: {  	_ =	swait.ge [sflag:s22], s20  }
0x9f: {  	s3 =	ssub.s32 $0x0, s20;
	[sflag:s22] =	ssyncset.done $0x0  }
0xa0: {  	[sflag:s22] =	ssyncadd.s32 s3;
	_ =	sdelay $0x1  }
0xa1: {  	s23 =	simm.s32 $0x1B8B  }
0xa2: {  	_ =	swait.ge [sflag:s23], $0x1  }
0xa3: {  	[sflag:s23] =	ssyncset.done $0x0  }
0xa4: {  	s25 =	simm.s32 $0x1B8E;
	s24 =	sld [smem:$0x3FFE];
	[sflag:s23] =	ssyncadd.s32 $0xFFFFFFFF  }
0xa5: {  	s26 =	simm.s32 $execute0_lowered;
	[smem:$0x3FD2] =	sst s25  }
0xa6: {  	s4 =	sshll.u32 s26, $0x1;
	_ =	strace $0x80000049;
	[dreg:$0x1] =	wrdreg $0xFFFFFFFF  }
0xa7: {  	s28 =	simm.s32 $_size_execute0_lowered;
	s2 =	sadd.s32 s2, s4;
	[dreg:$0x0] =	wrdreg $0x0  }
0xa8: {  	s4 =	sshll.u32 s28, $0x1;
	[dreg:$0x2] =	wrdreg s2  }
0xa9: {  	[dreg:$0x3] =	wrdreg s4  }
0xaa: {  	[dreg:$0x4] =	wrdreg $0xC0  }
0xab: {  	_ =	task [dreg:s6], $0x5FFFF  }
0xac: {  	[dreg:$0x1] =	wrdreg $0xFFFFFFFF  }
0xad: {  	[dreg:$0x0] =	wrdreg $0x60  }
0xae: {  	[dreg:$0x2] =	wrdreg s24  }
0xaf: {  	[dreg:$0x3] =	wrdreg $0x41000  }
0xb0: {  	[dreg:$0x4] =	wrdreg $0x9  }
0xb1: {  	_ =	task.clear_ibuf [dreg:s6], $0x5FFFF;
	_ =	strace $0x90000049  }
0xb2: {  	s29 =	simm.s32 $0x9;
	_ =	strace $0x8000004B  }
0xb3: {  	_ =	swait.ge [sflag:s29], $0x1  }
0xb4: {  	[sflag:s29] =	ssyncadd.s32 $0xFFFFFFFF  }
0xb5: {  	_ =	strace $0x9000004B  }
0xb6: {  	_ =	sfence  }
0xb7: {  	s30 =	sld [smem:$0x0];
	_ =	sdelay $0x2  }
0xb8: {  	s31 =	sshll.u32 s1, $0xD;
	s1 =	sshrl.u32 s1, $0x2  }
0xb9: {  	s3 =	sand.u32 $0x4000, s31;
	s1 =	sadd.s32 s1, s30  }
0xba: {  	s0 =	sor.u32 s3, s0;
	s1 =	sshll.u32 s1, $0x11  }
0xbb: {  	s0 =	sor.u32 s1, s0  }
0xbc: {  	s0 =	sadd.s32 $0x8F2B, s0  }
0xbd: {  	[sflag:s0] =	ssyncadd.remote.s32 $0x1  }
0xbe: {  	_ =	sfence.sel $0xFFFF  }
0xbf: {  	[dreg:$0x0] =	wrdreg $0xFFFFFFFF;
	(pc) =	sbr.abs _section_cstart, $3  }
0xc0: {  	[dreg:$0x1] =	wrdreg $0xFFFFFFFF  }
0xc1: {  	_ =	task.clear_ibuf [dreg:s6], $0x2FFFF;
	_ =	strace $0x9FFFFFFF  }
0xc2: {  	(tm) =	ssettm $0x7FFFFFFF  }
0xc3: {  	_ =	shalt  }
tec
execute0_lowered:
.L_overlay_start_1:
0x0: {  	(tag) =	ssettag $0x1  }
0x1: {  	s6 =	rddreg [dreg:$0x0]  }
0x2: {  	s0 =	stileid.u32;
	s1 =	srdreg.scid  }
0x3: {  	s2 =	rddreg [dreg:$0x1];
	s3 =	simm.s32 $0x0;
	s5 =	smul.u32 $0xA00, s0  }
0x4: {  	s18 =	simm.s32 $0x100;
	s19 =	simm.s32 $0x1;
	s7 =	smul.u32 $0x500, s0  }
0x5: {  	s8 =	sand.u32 $0x1, s1;
	s1 =	rddreg [dreg:$0x2];
	s10 =	smul.u32 $0x14000, s0  }
0x6: {  	s20 =	simm.s32 $0x0;
	[smem:$0x7FF] =	sst s3;
	s25 =	smul.u32 $0x50000, s0  }
0x7: {  	s4 =	sadd.s32 $0x8000, s6;
	s29 =	sshll.u32 s0, $0x6;
	s9 =	smul.u32 $0x140000, s8  }
0x8: {  	_ =	strace $0x8000004A;
	s26 =	ssub.s32 $0x2, s8;
	s30 =	sshll.u32 s8, $0x4  }
0x9: {  	s11 =	sadd.s32 s5, s6;
	s12 =	sadd.s32 s7, s6;
	s5 =	sadd.s32 $0x7800, s6  }
0xa: {  	s28 =	sshrl.u32 s26, $0x1;
	s24 =	sadd.s32 s10, s9;
	s9 =	sshrl.u32 s25, $0x2  }
0xb: {  	s10 =	ssub.s32 s26, s28;
	s31 =	sadd.s32 s30, s11;
	s7 =	sshrl.u32 s24, $0x3  }
0xc: {  	s13 =	sadd.s32 s9, s2;
	s8 =	smax.u32 s10, $0x1;
	s9 =	sadd.s32 $0x2800, s12  }
0xd: {  	s10 =	sadd.s32 $0x5D000, s31;
	s12 =	simm.s32 $0x2;
	s7 =	sadd.s32 s7, s6  }
0xe: {  	s6 =	sor.u32 $0x1C02, s29;
	s14 =	sadd.s32 $0x4000, s13;
	s15 =	sadd.s32 $0x8000, s13  }
0xf: {  	s16 =	sadd.s32 $0xC000, s13;
	s17 =	sadd.s32 $0x10000, s13;
	s11 =	sshrl.u32 s13, $0x3  }
0x10: {  	s7 =	sadd.s32 $0x67000, s7;
	s13 =	sshrl.u32 s14, $0x3;
	s14 =	sshrl.u32 s15, $0x3  }
0x11: {  	s15 =	sshrl.u32 s16, $0x3;
	s16 =	sshrl.u32 s17, $0x3;
	s17 =	simm.s32 $0x80  }
.LBB2_1:
0x12: {  	[spmem:s11], [sflag:s6] =	dma.local [hbm:s5], $0x800  }
0x13: {  	_ =	swait.ge [sflag:s12], $0x800  }
0x14: {  	[sflag:s12] =	ssyncset.done $0x0  }
0x15: {  	[sflag:s12] =	ssyncadd.s32 $0xFFFFF800  }
0x16: {  	[spmem:s13], [sflag:s6] =	dma.local [hbm:s5], $0x800  }
0x17: {  	_ =	swait.ge [sflag:s12], $0x800  }
0x18: {  	[sflag:s12] =	ssyncset.done $0x0  }
0x19: {  	[sflag:s12] =	ssyncadd.s32 $0xFFFFF800  }
0x1a: {  	[spmem:s14], [sflag:s6] =	dma.local [hbm:s5], $0x800  }
0x1b: {  	_ =	swait.ge [sflag:s12], $0x800  }
0x1c: {  	[sflag:s12] =	ssyncset.done $0x0  }
0x1d: {  	[sflag:s12] =	ssyncadd.s32 $0xFFFFF800  }
0x1e: {  	[spmem:s15], [sflag:s6] =	dma.local [hbm:s5], $0x800  }
0x1f: {  	_ =	swait.ge [sflag:s12], $0x800  }
0x20: {  	[sflag:s12] =	ssyncset.done $0x0  }
0x21: {  	[sflag:s12] =	ssyncadd.s32 $0xFFFFF800  }
0x22: {  	[spmem:s16], [sflag:s6] =	dma.local [hbm:s5], $0x800  }
0x23: {  	_ =	swait.ge [sflag:s12], $0x800  }
0x24: {  	[sflag:s12] =	ssyncset.done $0x0  }
0x25: {  	[sflag:s12] =	ssyncadd.s32 $0xFFFFF800  }
0x26: {  	[bflag:$0x0] =	sbarrier.arrive $0xFFFF  }
0x27: {  	[tilespmem:s3], [sflag:$0x2] =	stream.linear.gather [hbm4b:s10+s3], $0x80, $0x38;
	[tilespmem:$0x18100] =	vst v63  }
0x28: {  	_ =	swait.ge [sflag:s12], $0x80  }
0x29: {  	[sflag:s12] =	ssyncset.done $0x0  }
0x2a: {  	s21 =	sadd.s32 $0x0, s9;
	[sflag:s12] =	ssyncadd.s32 $0xFFFFFF80  }
0x2b: {  	[tilespmem:s17], [sflag:$0x2] =	stream.linear.gather [hbm4b:s21+s3], $0x80, $0x38;
	[tilespmem:$0x18100] =	vst v63  }
0x2c: {  	_ =	swait.ge [sflag:s12], $0x80  }
0x2d: {  	[sflag:s12] =	ssyncset.done $0x0  }
0x2e: {  	[sflag:s12] =	ssyncadd.s32 $0xFFFFFF80  }
0x2f: {  	[tilespmem:s18], [sflag:$0x1] =	stream.indirect.gather [hbm4b:s4+s17], $0x80, s3, s17, $0xb8;
	[tilespmem:$0x18100] =	vst v63  }
0x30: {  	_ =	swait.ge [sflag:s19], $0x4000  }
0x31: {  	[sflag:s19] =	ssyncset.done $0x0  }
0x32: {  	[sflag:s19] =	ssyncadd.s32 $0xFFFFC000  }
0x33: {  	[spmem:s2] =	stream.indirect.scatter.add.f32 [tilespmem:s18], [sflag:$0x2], $0x80, s17, s17, $0xb8;
	[tilespmem:$0x18100] =	vst v63  }
0x34: {  	_ =	swait.ge [sflag:s12], $0x4000  }
0x35: {  	s22 =	smov.u32 s10;
	s21 =	simm.s32 $0x10;
	[sflag:s12] =	ssyncset.done $0x0  }
.LBB2_2:
0x36: {  	p0 =	sne.s32 s21, $0x4F0;
	[sflag:s12] =	ssyncadd.s32 $0xFFFFC000;
	s22 =	sadd.s32 $0x20, s22  }
0x37: {  	[tilespmem:s3], [sflag:$0x2] =	stream.linear.gather [hbm4b:s22+s3], $0x80, $0x38;
	[tilespmem:$0x18100] =	vst v63  }
0x38: {  	s23 =	smov.u32 s21;
	s21 =	sadd.s32 $0x10, s21;
	_ =	swait.ge [sflag:s12], $0x80  }
0x39: {  	[sflag:s12] =	ssyncset.done $0x0  }
0x3a: {  	s23 =	sadd.s32 s23, s9;
	[sflag:s12] =	ssyncadd.s32 $0xFFFFFF80  }
0x3b: {  	[tilespmem:s17], [sflag:$0x2] =	stream.linear.gather [hbm4b:s23+s3], $0x80, $0x38;
	[tilespmem:$0x18100] =	vst v63  }
0x3c: {  	_ =	swait.ge [sflag:s12], $0x80  }
0x3d: {  	[sflag:s12] =	ssyncset.done $0x0  }
0x3e: {  	[sflag:s12] =	ssyncadd.s32 $0xFFFFFF80  }
0x3f: {  	[tilespmem:s18], [sflag:$0x1] =	stream.indirect.gather [hbm4b:s4+s17], $0x80, s3, s17, $0xb8;
	[tilespmem:$0x18100] =	vst v63  }
0x40: {  	_ =	swait.ge [sflag:s19], $0x4000  }
.Ltmp0:
0x41: {  	[sflag:s19] =	ssyncset.done $0x0;
	(pc) =	sbr.rel @p0 .LBB2_2-.Ltmp0, $4  }
0x42: {  	[sflag:s19] =	ssyncadd.s32 $0xFFFFC000  }
0x43: {  	[spmem:s2] =	stream.indirect.scatter.add.f32 [tilespmem:s18], [sflag:$0x2], $0x80, s17, s17, $0xb8;
	[tilespmem:$0x18100] =	vst v63  }
0x44: {  	_ =	swait.ge [sflag:s12], $0x4000  }
0x45: {  	[sflag:s12] =	ssyncset.done $0x0  }
0x46: {  	s20 =	sadd.s32 $0x1, s20  }
0x47: {  	[sflag:s12] =	ssyncadd.s32 $0xFFFFC000;
	p0 =	sne.s32 s20, s8  }
.Ltmp1:
0x48: {  	[bflag:$0x0] =	sbarrier.arrive $0xFFFF;
	(pc) =	sbr.rel @p0 .LBB2_1-.Ltmp1, $4  }
0x49: {  	[hbm:s7], [sflag:s6] =	dma.local [spmem:s11], $0x2800  }
0x4a: {  	_ =	swait.ge [sflag:s12], $0x2800  }
0x4b: {  	[sflag:s12] =	ssyncset.done $0x0  }
0x4c: {  	[sflag:s12] =	ssyncadd.s32 $0xFFFFD800  }
0x4d: {  	_ =	sfence.sel $0x180000  }
0x4e: {  	[bflag:$0x0] =	sbarrier.arrive $0xFFFF  }
0x4f: {  	p0 =	sne.s32 s0, $0x0;
	_ =	strace $0x9000004A  }
0x50: {  	s0 =	sadd.s32 @!p0 $0x100000, s1;
	[bflag:$0x2] =	sbarrier.arrive $0xFFFF  }
0x51: {  	[sflag:s0] =	ssyncadd.tile.s32 @!p0 $0x1;
	_ =	shalt  }
.Lfunc_end2:
_tile_overlayer_lowered:
.L_overlay_start_2:
0x52: {  	(tag) =	ssettag $0x2  }
0x53: {  	s0 =	rddreg [dreg:$0x0];
	s2 =	stileid.u32  }
0x54: {  	s1 =	rddreg [dreg:$0x1];
	p0 =	sne.s32 s2, $0x0  }
0x55: {  	s3 =	rddreg [dreg:$0x2];
	[bflag:$0x3] =	sbarrier.arrive $0xFFFF;
	s2 =	simm.s32 @!p0 $0x1C02  }
0x56: {  	[timem:s3], [sflag:s2] =	dma.local @!p0 [hbm:s0], s1  }
0x57: {  	s0 =	simm.s32 @!p0 $0x2  }
0x58: {  	_ =	swait.ge @!p0 [sflag:s0], s1  }
0x59: {  	s1 =	ssub.s32 @!p0 $0x0, s1;
	[sflag:s0] =	ssyncset.done @!p0 $0x0  }
0x5a: {  	[sflag:s0] =	ssyncadd.s32 @!p0 s1  }
0x5b: {  	[bflag:$0x3] =	sbarrier.arrive $0xFFFF  }
0x5c: {  	_ =	shalt  }

// kernel: kernel.14.cloned.1.call-start
scs
__scs_entry_jumppad:
0x0: {  	(pc) =	sbr.rel $0x88, $3  }
0x1: {  	(tag) =	ssettag $0x0;
	lr =	simm.s32 $0x1  }
0x2: {  	[smem:$0x3F9B] =	sst lr;
	_ =	strace $0xD0000000  }
0x3: {  	_ = 	snop  }
0x4: {  	_ = 	snop  }
0x5: {  	_ = 	snop  }
0x6: {  	_ = 	snop  }
0x7: {  	_ = 	snop  }
__scs_overlays_trampoline_lowered:
0x8: {  	[smem:$0x3FAA] =	sst s0  }
0x9: {  	[smem:$0x3FAB] =	sst s1  }
0xa: {  	[smem:$0x3FAC] =	sst s2  }
0xb: {  	[smem:$0x3FAD] =	sst s3  }
0xc: {  	[smem:$0x3FAE] =	sst s4  }
0xd: {  	[smem:$0x3FAF] =	sst s5  }
0xe: {  	[smem:$0x3FB0] =	sst s6  }
0xf: {  	[smem:$0x3FB1] =	sst s7  }
0x10: {  	[smem:$0x3FB2] =	sst s8  }
0x11: {  	[smem:$0x3FB3] =	sst s9;
	s0 =	simm.s32 @!p0 $0x0  }
0x12: {  	s1 =	sld [smem:$0x3F99];
	s0 =	simm.s32 @p0 $0x1  }
0x13: {  	[smem:$0x3FB4] =	sst s0;
	s0 =	simm.s32 @!p1 $0x0  }
0x14: {  	s2 =	sld [smem:$0x3F98];
	s0 =	simm.s32 @p1 $0x1  }
0x15: {  	[smem:$0x3FB5] =	sst s0;
	s0 =	simm.s32 @!p2 $0x0  }
0x16: {  	s3 =	sld [smem:$0x3FDB];
	s0 =	simm.s32 @p2 $0x1  }
0x17: {  	s4 =	simm.s32 $0x1BF5;
	[smem:$0x3FB7] =	sst s0  }
0x18: {  	s0 =	sld [smem:$0x3F9A];
	_ =	swait.ge [sflag:s4], $0x0  }
0x19: {  	s7 =	sld [smem:$0x3F9B]  }
0x1a: {  	s8 =	sadd.s32 $0xFFFFE003, lr  }
0x1b: {  	s9 =	sadd.s32 $0xFFFFFEF7, lr;
	s5 =	simm.s32 $0xFFFFFFFF;
	p2 =	slt.u32 s8, $0xFFFFF086  }
0x1c: {  	p1 =	slt.u32 s9, $0xF7A;
	s5 =	simm.s32 @!p2 $0x0  }
0x1d: {  	s5 =	simm.s32 @p1 $0x1;
	p0 =	seq.s32 s7, s2  }
0x1e: {  	s7 =	smul.u32 @!p0 $0xF7A, s2;
	p2 =	seq.s32 @!p0 s5, $0x0  }
0x1f: {  	s9 =	smul.u32 $0xF7A, s1;
	s8 =	simm.s32 @!p0 $0x1BF5;
	p2 =	por !p2, p0  }
0x20: {  	[sflag:s8] =	ssyncset.s32 @!p0 $0xFFFFF086;
	s6 =	sadd.s32 @!p0 s3, s7;
	s7 =	simm.s32 @!p0 $0x108  }
0x21: {  	s3 =	sadd.s32 s3, s9;
	s6 =	sadd.s32 @!p0 $0x88, s6;
	s7 =	simm.s32 @p2 $0x1082  }
0x22: {  	[simem:s7], [sflag:s8] =	dma.local @!p0 [hbm:s6], $0xF7A  }
0x23: {  	s9 =	sor.u32 $0xD0000000, s2;
	s6 =	simm.s32 $0x108;
	_ =	swait.ge @!p0 [sflag:s8], $0x0  }
0x24: {  	s3 =	sadd.s32 $0x88, s3;
	s6 =	simm.s32 @!p1 $0x1082;
	[sflag:s4] =	ssyncset.s32 $0xFFFFF086  }
0x25: {  	[simem:s6], [sflag:s4] =	dma.local [hbm:s3], $0xF7A  }
0x26: {  	[smem:$0x3F9B] =	sst s1;
	(tag) =	ssettag s2;
	_ =	strace s9  }
0x27: {  	s1 =	sld [smem:$0x3FAB]  }
0x28: {  	s2 =	sld [smem:$0x3FAC]  }
0x29: {  	s4 =	sld [smem:$0x3FAE]  }
0x2a: {  	p0 =	seq.s32 s5, $0x0;
	s5 =	sld [smem:$0x3FAF]  }
0x2b: {  	s6 =	sld [smem:$0x3FB0]  }
0x2c: {  	s7 =	sld [smem:$0x3FB1]  }
0x2d: {  	s3 =	simm.s32 $0x108;
	s8 =	sld [smem:$0x3FB2]  }
0x2e: {  	s3 =	simm.s32 @!p0 $0x1082;
	s9 =	sld [smem:$0x3FB3]  }
0x2f: {  	lr =	sadd.s32 s0, s3;
	s0 =	sld [smem:$0x3FAA]  }
0x30: {  	s3 =	sld [smem:$0x3FAD]  }
0x31: {  	[smem:$0x3FB6] =	sst s10  }
0x32: {  	s10 =	sld [smem:$0x3FB4];
	_ =	sdelay $0x3  }
0x33: {  	p0 =	seq.s32 s10, $0x1;
	s10 =	sld [smem:$0x3FB6];
	_ =	sdelay $0x3  }
0x34: {  	[smem:$0x3FB6] =	sst s10  }
0x35: {  	s10 =	sld [smem:$0x3FB5];
	_ =	sdelay $0x3  }
0x36: {  	p1 =	seq.s32 s10, $0x1;
	s10 =	sld [smem:$0x3FB6];
	_ =	sdelay $0x3  }
0x37: {  	[smem:$0x3FB6] =	sst s10  }
0x38: {  	s10 =	sld [smem:$0x3FB7]  }
0x39: {  	_ = 	snop;
	(pc) =	sbr.ind lr, $3  }
0x3a: {  	_ = 	snop  }
0x3b: {  	_ = 	snop  }
0x3c: {  	p2 =	seq.s32 s10, $0x1;
	s10 =	sld [smem:$0x3FB6]  }
0x3d: {  	_ =	shalt  }
0x3e: {  	_ =	shalt  }
0x3f: {  	_ =	shalt  }
0x40: {  	_ =	shalt  }
0x41: {  	_ =	shalt  }
0x42: {  	_ =	shalt  }
0x43: {  	_ =	shalt  }
0x44: {  	_ =	shalt  }
0x45: {  	_ =	shalt  }
0x46: {  	_ =	shalt  }
0x47: {  	_ =	shalt  }
0x48: {  	_ =	shalt  }
0x49: {  	_ =	shalt  }
0x4a: {  	_ =	shalt  }
0x4b: {  	_ =	shalt  }
0x4c: {  	_ =	shalt  }
0x4d: {  	_ =	shalt  }
0x4e: {  	_ =	shalt  }
0x4f: {  	_ =	shalt  }
0x50: {  	_ =	shalt  }
0x51: {  	_ =	shalt  }
0x52: {  	_ =	shalt  }
0x53: {  	_ =	shalt  }
0x54: {  	_ =	shalt  }
0x55: {  	_ =	shalt  }
0x56: {  	_ =	shalt  }
0x57: {  	_ =	shalt  }
0x58: {  	_ =	shalt  }
0x59: {  	_ =	shalt  }
0x5a: {  	_ =	shalt  }
0x5b: {  	_ =	shalt  }
0x5c: {  	_ =	shalt  }
0x5d: {  	_ =	shalt  }
0x5e: {  	_ =	shalt  }
0x5f: {  	_ =	shalt  }
0x60: {  	_ =	shalt  }
0x61: {  	_ =	shalt  }
0x62: {  	_ =	shalt  }
0x63: {  	_ =	shalt  }
0x64: {  	_ =	shalt  }
0x65: {  	_ =	shalt  }
0x66: {  	_ =	shalt  }
0x67: {  	_ =	shalt  }
0x68: {  	_ =	shalt  }
0x69: {  	_ =	shalt  }
0x6a: {  	_ =	shalt  }
0x6b: {  	_ =	shalt  }
0x6c: {  	_ =	shalt  }
0x6d: {  	_ =	shalt  }
0x6e: {  	_ =	shalt  }
0x6f: {  	_ =	shalt  }
0x70: {  	_ =	shalt  }
0x71: {  	_ =	shalt  }
0x72: {  	_ =	shalt  }
0x73: {  	_ =	shalt  }
0x74: {  	_ =	shalt  }
0x75: {  	_ =	shalt  }
0x76: {  	_ =	shalt  }
0x77: {  	_ =	shalt  }
0x78: {  	_ =	shalt  }
0x79: {  	_ =	shalt  }
0x7a: {  	_ =	shalt  }
0x7b: {  	_ =	shalt  }
0x7c: {  	_ =	shalt  }
0x7d: {  	_ =	shalt  }
0x7e: {  	_ =	shalt  }
0x7f: {  	_ =	shalt  }
0x80: {  	_ =	shalt  }
0x81: {  	_ =	shalt  }
0x82: {  	_ =	shalt  }
0x83: {  	_ =	shalt  }
0x84: {  	_ =	shalt  }
0x85: {  	_ =	shalt  }
0x86: {  	_ =	shalt  }
0x87: {  	_ =	shalt  }
.Lfunc_end0:
.L_simem_size_0:
called_computation.2_lowered:
.L_overlay_start_0:
0x88: {  	s2 =	sld [smem:$0x3FD9]  }
0x89: {  	s3 =	sld [smem:$0x3FFE];
	_ =	sdelay $0x1  }
0x8a: {  	s1 =	srdreg.scid  }
0x8b: {  	s0 =	sand.u32 $0x1, s1  }
0x8c: {  	s16 =	sshll.u32 s0, $0xA;
	s2 =	sadd.s32 s3, s2  }
0x8d: {  	s2 =	sadd.s32 s2, s16  }
0x8e: {  	[smem:$0x3FC2] =	sst s2  }
0x8f: {  	_ = 	snop  }
0x90: {  	(tm) =	ssettm $0x1  }
0x91: {  	s17 =	sld [smem:$0x3FFB];
	_ =	sdelay $0x3  }
0x92: {  	_ =	strace s17  }
0x93: {  	s2 =	sld [smem:$0x3FFC];
	_ =	sdelay $0x3  }
0x94: {  	_ =	strace s2  }
0x95: {  	s2 =	sld [smem:$0x3FFD];
	_ =	sdelay $0x3  }
0x96: {  	_ =	strace s2  }
0x97: {  	_ =	strace $0x8FFFFFFF  }
0x98: {  	s18 =	sld [smem:$0x3FDB];
	_ =	sdelay $0x1  }
0x99: {  	s19 =	simm.s32 $_scs_section_size  }
0x9a: {  	s4 =	simm.s32 $_size__tile_overlayer_lowered;
	s5 =	simm.s32 $_tile_overlayer_lowered  }
0x9b: {  	s22 =	simm.s32 $0x1BFF;
	s21 =	sshll.u32 s5, $0x1;
	s2 =	sadd.s32 s19, s18  }
0x9c: {  	s6 =	simm.s32 $0x0;
	s20 =	sshll.u32 s4, $0x1;
	s4 =	sadd.s32 s21, s2  }
0x9d: {  	[timem:s6], [sflag:s22] =	dma.local [hbm:s4], s20  }
0x9e: {  	_ =	swait.ge [sflag:s22], s20  }
0x9f: {  	s3 =	ssub.s32 $0x0, s20;
	[sflag:s22] =	ssyncset.done $0x0  }
0xa0: {  	[sflag:s22] =	ssyncadd.s32 s3;
	_ =	sdelay $0x1  }
0xa1: {  	s23 =	simm.s32 $0x1B8B  }
0xa2: {  	_ =	swait.ge [sflag:s23], $0x1  }
0xa3: {  	[sflag:s23] =	ssyncset.done $0x0  }
0xa4: {  	s25 =	simm.s32 $0x1B8E;
	s24 =	sld [smem:$0x3FFE];
	[sflag:s23] =	ssyncadd.s32 $0xFFFFFFFF  }
0xa5: {  	s26 =	simm.s32 $execute0_lowered;
	[smem:$0x3FD2] =	sst s25  }
0xa6: {  	s4 =	sshll.u32 s26, $0x1;
	_ =	strace $0x8000004C;
	[dreg:$0x1] =	wrdreg $0xFFFFFFFF  }
0xa7: {  	s28 =	simm.s32 $_size_execute0_lowered;
	s2 =	sadd.s32 s2, s4;
	[dreg:$0x0] =	wrdreg $0x0  }
0xa8: {  	s4 =	sshll.u32 s28, $0x1;
	[dreg:$0x2] =	wrdreg s2  }
0xa9: {  	[dreg:$0x3] =	wrdreg s4  }
0xaa: {  	[dreg:$0x4] =	wrdreg $0xC0  }
0xab: {  	_ =	task [dreg:s6], $0x5FFFF  }
0xac: {  	[dreg:$0x1] =	wrdreg $0xFFFFFFFF  }
0xad: {  	[dreg:$0x0] =	wrdreg $0x60  }
0xae: {  	[dreg:$0x2] =	wrdreg s24  }
0xaf: {  	[dreg:$0x3] =	wrdreg $0x41000  }
0xb0: {  	[dreg:$0x4] =	wrdreg $0x9  }
0xb1: {  	_ =	task.clear_ibuf [dreg:s6], $0x5FFFF;
	_ =	strace $0x9000004C  }
0xb2: {  	s29 =	simm.s32 $0x9;
	_ =	strace $0x8000004E  }
0xb3: {  	_ =	swait.ge [sflag:s29], $0x1  }
0xb4: {  	[sflag:s29] =	ssyncadd.s32 $0xFFFFFFFF  }
0xb5: {  	_ =	strace $0x9000004E  }
0xb6: {  	_ =	sfence  }
0xb7: {  	s30 =	sld [smem:$0x0];
	_ =	sdelay $0x2  }
0xb8: {  	s31 =	sshll.u32 s1, $0xD;
	s1 =	sshrl.u32 s1, $0x2  }
0xb9: {  	s3 =	sand.u32 $0x4000, s31;
	s1 =	sadd.s32 s1, s30  }
0xba: {  	s0 =	sor.u32 s3, s0;
	s1 =	sshll.u32 s1, $0x11  }
0xbb: {  	s0 =	sor.u32 s1, s0  }
0xbc: {  	s0 =	sadd.s32 $0x8F2B, s0  }
0xbd: {  	[sflag:s0] =	ssyncadd.remote.s32 $0x1  }
0xbe: {  	_ =	sfence.sel $0xFFFF  }
0xbf: {  	[dreg:$0x0] =	wrdreg $0xFFFFFFFF;
	(pc) =	sbr.abs _section_cstart, $3  }
0xc0: {  	[dreg:$0x1] =	wrdreg $0xFFFFFFFF  }
0xc1: {  	_ =	task.clear_ibuf [dreg:s6], $0x2FFFF;
	_ =	strace $0x9FFFFFFF  }
0xc2: {  	(tm) =	ssettm $0x7FFFFFFF  }
0xc3: {  	_ =	shalt  }
tec
execute0_lowered:
.L_overlay_start_1:
0x0: {  	(tag) =	ssettag $0x1  }
0x1: {  	s6 =	rddreg [dreg:$0x0]  }
0x2: {  	s0 =	srdreg.scid;
	s2 =	rddreg [dreg:$0x1]  }
0x3: {  	s1 =	rddreg [dreg:$0x2];
	s7 =	sand.u32 $0x1, s0  }
0x4: {  	s3 =	simm.s32 $0x0;
	s0 =	stileid.u32;
	s4 =	smul.u32 $0x14000, s7  }
0x5: {  	s18 =	simm.s32 $0x100;
	s19 =	simm.s32 $0x1;
	s5 =	smul.u32 $0x1400, s0  }
0x6: {  	s20 =	simm.s32 $0x0;
	[smem:$0x7FF] =	sst s3;
	s8 =	smul.u32 $0x140000, s7  }
0x7: {  	s9 =	smul.u32 $0x14000, s0;
	_ =	strace $0x8000004D;
	s31 =	ssub.s32 $0x2, s7  }
0x8: {  	s30 =	smul.u32 $0x50000, s0;
	s11 =	sshll.u32 s0, $0x6;
	s7 =	sshrl.u32 s31, $0x1  }
0x9: {  	s5 =	sadd.s32 s5, s4;
	s4 =	sadd.s32 $0x8000, s6;
	s8 =	sadd.s32 s9, s8  }
0xa: {  	s9 =	sshrl.u32 s30, $0x2;
	s12 =	ssub.s32 s31, s7;
	s5 =	sshrl.u32 s5, $0x3  }
0xb: {  	s8 =	sshrl.u32 s8, $0x3;
	s13 =	sadd.s32 s9, s2;
	s10 =	sadd.s32 s5, s6  }
0xc: {  	s5 =	sadd.s32 $0x7800, s6;
	s8 =	sadd.s32 s8, s6;
	s6 =	sor.u32 $0x1C02, s11  }
0xd: {  	s14 =	sadd.s32 $0x4000, s13;
	s15 =	sadd.s32 $0x8000, s13;
	s16 =	sadd.s32 $0xC000, s13  }
0xe: {  	s17 =	sadd.s32 $0x10000, s13;
	s11 =	sshrl.u32 s13, $0x3;
	s7 =	sadd.s32 $0x5D000, s8  }
0xf: {  	s8 =	smax.u32 s12, $0x1;
	s9 =	sadd.s32 $0x2800, s10;
	s10 =	sadd.s32 $0x58000, s10  }
0x10: {  	s12 =	simm.s32 $0x2;
	s13 =	sshrl.u32 s14, $0x3;
	s14 =	sshrl.u32 s15, $0x3  }
0x11: {  	s15 =	sshrl.u32 s16, $0x3;
	s16 =	sshrl.u32 s17, $0x3;
	s17 =	simm.s32 $0x80  }
.LBB2_1:
0x12: {  	[spmem:s11], [sflag:s6] =	dma.local [hbm:s5], $0x800  }
0x13: {  	_ =	swait.ge [sflag:s12], $0x800  }
0x14: {  	[sflag:s12] =	ssyncset.done $0x0  }
0x15: {  	[sflag:s12] =	ssyncadd.s32 $0xFFFFF800  }
0x16: {  	[spmem:s13], [sflag:s6] =	dma.local [hbm:s5], $0x800  }
0x17: {  	_ =	swait.ge [sflag:s12], $0x800  }
0x18: {  	[sflag:s12] =	ssyncset.done $0x0  }
0x19: {  	[sflag:s12] =	ssyncadd.s32 $0xFFFFF800  }
0x1a: {  	[spmem:s14], [sflag:s6] =	dma.local [hbm:s5], $0x800  }
0x1b: {  	_ =	swait.ge [sflag:s12], $0x800  }
0x1c: {  	[sflag:s12] =	ssyncset.done $0x0  }
0x1d: {  	[sflag:s12] =	ssyncadd.s32 $0xFFFFF800  }
0x1e: {  	[spmem:s15], [sflag:s6] =	dma.local [hbm:s5], $0x800  }
0x1f: {  	_ =	swait.ge [sflag:s12], $0x800  }
0x20: {  	[sflag:s12] =	ssyncset.done $0x0  }
0x21: {  	[sflag:s12] =	ssyncadd.s32 $0xFFFFF800  }
0x22: {  	[spmem:s16], [sflag:s6] =	dma.local [hbm:s5], $0x800  }
0x23: {  	_ =	swait.ge [sflag:s12], $0x800  }
0x24: {  	[sflag:s12] =	ssyncset.done $0x0  }
0x25: {  	[sflag:s12] =	ssyncadd.s32 $0xFFFFF800  }
0x26: {  	s21 =	sadd.s32 $0x0, s10;
	[bflag:$0x0] =	sbarrier.arrive $0xFFFF  }
0x27: {  	[tilespmem:s3], [sflag:$0x2] =	stream.linear.gather [hbm4b:s21+s3], $0x80, $0x38;
	[tilespmem:$0x18100] =	vst v63  }
0x28: {  	_ =	swait.ge [sflag:s12], $0x80  }
0x29: {  	[sflag:s12] =	ssyncset.done $0x0  }
0x2a: {  	s31 =	sadd.s32 $0x0, s9;
	[sflag:s12] =	ssyncadd.s32 $0xFFFFFF80  }
0x2b: {  	[tilespmem:s17], [sflag:$0x2] =	stream.linear.gather [hbm4b:s31+s3], $0x80, $0x38;
	[tilespmem:$0x18100] =	vst v63  }
0x2c: {  	_ =	swait.ge [sflag:s12], $0x80  }
0x2d: {  	[sflag:s12] =	ssyncset.done $0x0  }
0x2e: {  	[sflag:s12] =	ssyncadd.s32 $0xFFFFFF80  }
0x2f: {  	[tilespmem:s18], [sflag:$0x1] =	stream.indirect.gather [hbm4b:s4+s17], $0x80, s3, s17, $0xb8;
	[tilespmem:$0x18100] =	vst v63  }
0x30: {  	_ =	swait.ge [sflag:s19], $0x4000  }
0x31: {  	[sflag:s19] =	ssyncset.done $0x0  }
0x32: {  	[sflag:s19] =	ssyncadd.s32 $0xFFFFC000  }
0x33: {  	[spmem:s2] =	stream.indirect.scatter.add.f32 [tilespmem:s18], [sflag:$0x2], $0x80, s17, s17, $0xb8;
	[tilespmem:$0x18100] =	vst v63  }
0x34: {  	_ =	swait.ge [sflag:s12], $0x4000  }
0x35: {  	s22 =	simm.s32 $0x20;
	s21 =	simm.s32 $0x10;
	[sflag:s12] =	ssyncset.done $0x0  }
.LBB2_2:
0x36: {  	s23 =	sadd.s32 s21, s10  }
0x37: {  	[sflag:s12] =	ssyncadd.s32 $0xFFFFC000;
	s24 =	smov.u32 s22;
	s25 =	sadd.s32 $0x10, s22  }
0x38: {  	[tilespmem:s3], [sflag:$0x2] =	stream.linear.gather [hbm4b:s23+s3], $0x80, $0x38;
	[tilespmem:$0x18100] =	vst v63  }
0x39: {  	p0 =	sne.s32 s22, $0x270;
	_ =	swait.ge [sflag:s12], $0x80  }
0x3a: {  	[sflag:s12] =	ssyncset.done $0x0  }
0x3b: {  	s22 =	sadd.s32 s21, s9;
	s21 =	smov.u32 s24;
	[sflag:s12] =	ssyncadd.s32 $0xFFFFFF80  }
0x3c: {  	[tilespmem:s17], [sflag:$0x2] =	stream.linear.gather [hbm4b:s22+s3], $0x80, $0x38;
	[tilespmem:$0x18100] =	vst v63  }
0x3d: {  	_ =	swait.ge [sflag:s12], $0x80  }
0x3e: {  	[sflag:s12] =	ssyncset.done $0x0  }
0x3f: {  	[sflag:s12] =	ssyncadd.s32 $0xFFFFFF80  }
0x40: {  	[tilespmem:s18], [sflag:$0x1] =	stream.indirect.gather [hbm4b:s4+s17], $0x80, s3, s17, $0xb8;
	[tilespmem:$0x18100] =	vst v63  }
0x41: {  	_ =	swait.ge [sflag:s19], $0x4000  }
.Ltmp0:
0x42: {  	[sflag:s19] =	ssyncset.done $0x0;
	(pc) =	sbr.rel @p0 .LBB2_2-.Ltmp0, $4  }
0x43: {  	[sflag:s19] =	ssyncadd.s32 $0xFFFFC000  }
0x44: {  	[spmem:s2] =	stream.indirect.scatter.add.f32 [tilespmem:s18], [sflag:$0x2], $0x80, s17, s17, $0xb8;
	[tilespmem:$0x18100] =	vst v63  }
0x45: {  	_ =	swait.ge [sflag:s12], $0x4000  }
0x46: {  	s22 =	smov.u32 s25;
	[sflag:s12] =	ssyncset.done $0x0  }
0x47: {  	s22 =	sadd.s32 s21, s10;
	[sflag:s12] =	ssyncadd.s32 $0xFFFFC000  }
0x48: {  	[tilespmem:s3], [sflag:$0x2] =	stream.linear.gather [hbm4b:s22+s3], $0x80, $0x38;
	[tilespmem:$0x18100] =	vst v63  }
0x49: {  	_ =	swait.ge [sflag:s12], $0x80  }
0x4a: {  	[sflag:s12] =	ssyncset.done $0x0  }
0x4b: {  	s31 =	sadd.s32 s21, s9;
	[sflag:s12] =	ssyncadd.s32 $0xFFFFFF80  }
0x4c: {  	[tilespmem:s17], [sflag:$0x2] =	stream.linear.gather [hbm4b:s31+s3], $0x80, $0x38;
	[tilespmem:$0x18100] =	vst v63  }
0x4d: {  	_ =	swait.ge [sflag:s12], $0x80  }
0x4e: {  	[sflag:s12] =	ssyncset.done $0x0  }
0x4f: {  	[sflag:s12] =	ssyncadd.s32 $0xFFFFFF80  }
0x50: {  	[tilespmem:s18], [sflag:$0x1] =	stream.indirect.gather [hbm4b:s4+s17], $0x80, s3, s17, $0xb8;
	[tilespmem:$0x18100] =	vst v63  }
0x51: {  	_ =	swait.ge [sflag:s19], $0x4000  }
0x52: {  	[sflag:s19] =	ssyncset.done $0x0  }
0x53: {  	[sflag:s19] =	ssyncadd.s32 $0xFFFFC000  }
0x54: {  	[spmem:s2] =	stream.indirect.scatter.add.f32 [tilespmem:s18], [sflag:$0x2], $0x80, s17, s17, $0xb8;
	[tilespmem:$0x18100] =	vst v63  }
0x55: {  	_ =	swait.ge [sflag:s12], $0x4000  }
0x56: {  	s20 =	sadd.s32 $0x1, s20;
	[sflag:s12] =	ssyncset.done $0x0  }
0x57: {  	p0 =	sne.s32 s20, s8;
	[sflag:s12] =	ssyncadd.s32 $0xFFFFC000  }
.Ltmp1:
0x58: {  	[bflag:$0x0] =	sbarrier.arrive $0xFFFF;
	(pc) =	sbr.rel @p0 .LBB2_1-.Ltmp1, $4  }
0x59: {  	[hbm:s7], [sflag:s6] =	dma.local [spmem:s11], $0x2800  }
0x5a: {  	_ =	swait.ge [sflag:s12], $0x2800  }
0x5b: {  	[sflag:s12] =	ssyncset.done $0x0  }
0x5c: {  	[sflag:s12] =	ssyncadd.s32 $0xFFFFD800  }
0x5d: {  	_ =	sfence.sel $0x180000  }
0x5e: {  	[bflag:$0x0] =	sbarrier.arrive $0xFFFF  }
0x5f: {  	p0 =	sne.s32 s0, $0x0;
	_ =	strace $0x9000004D  }
0x60: {  	s0 =	sadd.s32 @!p0 $0x100000, s1;
	[bflag:$0x2] =	sbarrier.arrive $0xFFFF  }
0x61: {  	[sflag:s0] =	ssyncadd.tile.s32 @!p0 $0x1;
	_ =	shalt  }
.Lfunc_end2:
_tile_overlayer_lowered:
.L_overlay_start_2:
0x62: {  	(tag) =	ssettag $0x2  }
0x63: {  	s0 =	rddreg [dreg:$0x0];
	s2 =	stileid.u32  }
0x64: {  	s1 =	rddreg [dreg:$0x1];
	p0 =	sne.s32 s2, $0x0  }
0x65: {  	s3 =	rddreg [dreg:$0x2];
	[bflag:$0x3] =	sbarrier.arrive $0xFFFF;
	s2 =	simm.s32 @!p0 $0x1C02  }
0x66: {  	[timem:s3], [sflag:s2] =	dma.local @!p0 [hbm:s0], s1  }
0x67: {  	s0 =	simm.s32 @!p0 $0x2  }
0x68: {  	_ =	swait.ge @!p0 [sflag:s0], s1  }
0x69: {  	s1 =	ssub.s32 @!p0 $0x0, s1;
	[sflag:s0] =	ssyncset.done @!p0 $0x0  }
0x6a: {  	[sflag:s0] =	ssyncadd.s32 @!p0 s1  }
0x6b: {  	[bflag:$0x3] =	sbarrier.arrive $0xFFFF  }
0x6c: {  	_ =	shalt  }

// kernel: kernel.8.cloned.1.call-start
scs
__scs_entry_jumppad:
0x0: {  	(pc) =	sbr.rel $0x88, $3  }
0x1: {  	(tag) =	ssettag $0x0;
	lr =	simm.s32 $0x1  }
0x2: {  	[smem:$0x3F9B] =	sst lr;
	_ =	strace $0xD0000000  }
0x3: {  	_ = 	snop  }
0x4: {  	_ = 	snop  }
0x5: {  	_ = 	snop  }
0x6: {  	_ = 	snop  }
0x7: {  	_ = 	snop  }
__scs_overlays_trampoline_lowered:
0x8: {  	[smem:$0x3FAA] =	sst s0  }
0x9: {  	[smem:$0x3FAB] =	sst s1  }
0xa: {  	[smem:$0x3FAC] =	sst s2  }
0xb: {  	[smem:$0x3FAD] =	sst s3  }
0xc: {  	[smem:$0x3FAE] =	sst s4  }
0xd: {  	[smem:$0x3FAF] =	sst s5  }
0xe: {  	[smem:$0x3FB0] =	sst s6  }
0xf: {  	[smem:$0x3FB1] =	sst s7  }
0x10: {  	[smem:$0x3FB2] =	sst s8  }
0x11: {  	[smem:$0x3FB3] =	sst s9;
	s0 =	simm.s32 @!p0 $0x0  }
0x12: {  	s1 =	sld [smem:$0x3F99];
	s0 =	simm.s32 @p0 $0x1  }
0x13: {  	[smem:$0x3FB4] =	sst s0;
	s0 =	simm.s32 @!p1 $0x0  }
0x14: {  	s2 =	sld [smem:$0x3F98];
	s0 =	simm.s32 @p1 $0x1  }
0x15: {  	[smem:$0x3FB5] =	sst s0;
	s0 =	simm.s32 @!p2 $0x0  }
0x16: {  	s3 =	sld [smem:$0x3FDB];
	s0 =	simm.s32 @p2 $0x1  }
0x17: {  	s4 =	simm.s32 $0x1BF5;
	[smem:$0x3FB7] =	sst s0  }
0x18: {  	s0 =	sld [smem:$0x3F9A];
	_ =	swait.ge [sflag:s4], $0x0  }
0x19: {  	s7 =	sld [smem:$0x3F9B]  }
0x1a: {  	s8 =	sadd.s32 $0xFFFFE003, lr  }
0x1b: {  	s9 =	sadd.s32 $0xFFFFFEF7, lr;
	s5 =	simm.s32 $0xFFFFFFFF;
	p2 =	slt.u32 s8, $0xFFFFF086  }
0x1c: {  	p1 =	slt.u32 s9, $0xF7A;
	s5 =	simm.s32 @!p2 $0x0  }
0x1d: {  	s5 =	simm.s32 @p1 $0x1;
	p0 =	seq.s32 s7, s2  }
0x1e: {  	s7 =	smul.u32 @!p0 $0xF7A, s2;
	p2 =	seq.s32 @!p0 s5, $0x0  }
0x1f: {  	s9 =	smul.u32 $0xF7A, s1;
	s8 =	simm.s32 @!p0 $0x1BF5;
	p2 =	por !p2, p0  }
0x20: {  	[sflag:s8] =	ssyncset.s32 @!p0 $0xFFFFF086;
	s6 =	sadd.s32 @!p0 s3, s7;
	s7 =	simm.s32 @!p0 $0x108  }
0x21: {  	s3 =	sadd.s32 s3, s9;
	s6 =	sadd.s32 @!p0 $0x88, s6;
	s7 =	simm.s32 @p2 $0x1082  }
0x22: {  	[simem:s7], [sflag:s8] =	dma.local @!p0 [hbm:s6], $0xF7A  }
0x23: {  	s9 =	sor.u32 $0xD0000000, s2;
	s6 =	simm.s32 $0x108;
	_ =	swait.ge @!p0 [sflag:s8], $0x0  }
0x24: {  	s3 =	sadd.s32 $0x88, s3;
	s6 =	simm.s32 @!p1 $0x1082;
	[sflag:s4] =	ssyncset.s32 $0xFFFFF086  }
0x25: {  	[simem:s6], [sflag:s4] =	dma.local [hbm:s3], $0xF7A  }
0x26: {  	[smem:$0x3F9B] =	sst s1;
	(tag) =	ssettag s2;
	_ =	strace s9  }
0x27: {  	s1 =	sld [smem:$0x3FAB]  }
0x28: {  	s2 =	sld [smem:$0x3FAC]  }
0x29: {  	s4 =	sld [smem:$0x3FAE]  }
0x2a: {  	p0 =	seq.s32 s5, $0x0;
	s5 =	sld [smem:$0x3FAF]  }
0x2b: {  	s6 =	sld [smem:$0x3FB0]  }
0x2c: {  	s7 =	sld [smem:$0x3FB1]  }
0x2d: {  	s3 =	simm.s32 $0x108;
	s8 =	sld [smem:$0x3FB2]  }
0x2e: {  	s3 =	simm.s32 @!p0 $0x1082;
	s9 =	sld [smem:$0x3FB3]  }
0x2f: {  	lr =	sadd.s32 s0, s3;
	s0 =	sld [smem:$0x3FAA]  }
0x30: {  	s3 =	sld [smem:$0x3FAD]  }
0x31: {  	[smem:$0x3FB6] =	sst s10  }
0x32: {  	s10 =	sld [smem:$0x3FB4];
	_ =	sdelay $0x3  }
0x33: {  	p0 =	seq.s32 s10, $0x1;
	s10 =	sld [smem:$0x3FB6];
	_ =	sdelay $0x3  }
0x34: {  	[smem:$0x3FB6] =	sst s10  }
0x35: {  	s10 =	sld [smem:$0x3FB5];
	_ =	sdelay $0x3  }
0x36: {  	p1 =	seq.s32 s10, $0x1;
	s10 =	sld [smem:$0x3FB6];
	_ =	sdelay $0x3  }
0x37: {  	[smem:$0x3FB6] =	sst s10  }
0x38: {  	s10 =	sld [smem:$0x3FB7]  }
0x39: {  	_ = 	snop;
	(pc) =	sbr.ind lr, $3  }
0x3a: {  	_ = 	snop  }
0x3b: {  	_ = 	snop  }
0x3c: {  	p2 =	seq.s32 s10, $0x1;
	s10 =	sld [smem:$0x3FB6]  }
0x3d: {  	_ =	shalt  }
0x3e: {  	_ =	shalt  }
0x3f: {  	_ =	shalt  }
0x40: {  	_ =	shalt  }
0x41: {  	_ =	shalt  }
0x42: {  	_ =	shalt  }
0x43: {  	_ =	shalt  }
0x44: {  	_ =	shalt  }
0x45: {  	_ =	shalt  }
0x46: {  	_ =	shalt  }
0x47: {  	_ =	shalt  }
0x48: {  	_ =	shalt  }
0x49: {  	_ =	shalt  }
0x4a: {  	_ =	shalt  }
0x4b: {  	_ =	shalt  }
0x4c: {  	_ =	shalt  }
0x4d: {  	_ =	shalt  }
0x4e: {  	_ =	shalt  }
0x4f: {  	_ =	shalt  }
0x50: {  	_ =	shalt  }
0x51: {  	_ =	shalt  }
0x52: {  	_ =	shalt  }
0x53: {  	_ =	shalt  }
0x54: {  	_ =	shalt  }
0x55: {  	_ =	shalt  }
0x56: {  	_ =	shalt  }
0x57: {  	_ =	shalt  }
0x58: {  	_ =	shalt  }
0x59: {  	_ =	shalt  }
0x5a: {  	_ =	shalt  }
0x5b: {  	_ =	shalt  }
0x5c: {  	_ =	shalt  }
0x5d: {  	_ =	shalt  }
0x5e: {  	_ =	shalt  }
0x5f: {  	_ =	shalt  }
0x60: {  	_ =	shalt  }
0x61: {  	_ =	shalt  }
0x62: {  	_ =	shalt  }
0x63: {  	_ =	shalt  }
0x64: {  	_ =	shalt  }
0x65: {  	_ =	shalt  }
0x66: {  	_ =	shalt  }
0x67: {  	_ =	shalt  }
0x68: {  	_ =	shalt  }
0x69: {  	_ =	shalt  }
0x6a: {  	_ =	shalt  }
0x6b: {  	_ =	shalt  }
0x6c: {  	_ =	shalt  }
0x6d: {  	_ =	shalt  }
0x6e: {  	_ =	shalt  }
0x6f: {  	_ =	shalt  }
0x70: {  	_ =	shalt  }
0x71: {  	_ =	shalt  }
0x72: {  	_ =	shalt  }
0x73: {  	_ =	shalt  }
0x74: {  	_ =	shalt  }
0x75: {  	_ =	shalt  }
0x76: {  	_ =	shalt  }
0x77: {  	_ =	shalt  }
0x78: {  	_ =	shalt  }
0x79: {  	_ =	shalt  }
0x7a: {  	_ =	shalt  }
0x7b: {  	_ =	shalt  }
0x7c: {  	_ =	shalt  }
0x7d: {  	_ =	shalt  }
0x7e: {  	_ =	shalt  }
0x7f: {  	_ =	shalt  }
0x80: {  	_ =	shalt  }
0x81: {  	_ =	shalt  }
0x82: {  	_ =	shalt  }
0x83: {  	_ =	shalt  }
0x84: {  	_ =	shalt  }
0x85: {  	_ =	shalt  }
0x86: {  	_ =	shalt  }
0x87: {  	_ =	shalt  }
.Lfunc_end0:
.L_simem_size_0:
called_computation_lowered:
.L_overlay_start_0:
0x88: {  	s2 =	sld [smem:$0x3FD9]  }
0x89: {  	s3 =	sld [smem:$0x3FFE];
	_ =	sdelay $0x1  }
0x8a: {  	s1 =	srdreg.scid  }
0x8b: {  	s0 =	sand.u32 $0x1, s1  }
0x8c: {  	s17 =	sshll.u32 s0, $0xA;
	s2 =	sadd.s32 s3, s2  }
0x8d: {  	s2 =	sadd.s32 s2, s17  }
0x8e: {  	[smem:$0x3FC2] =	sst s2  }
0x8f: {  	_ = 	snop  }
0x90: {  	s2 =	sld [smem:$0x3FD0];
	(tm) =	ssettm $0x1  }
0x91: {  	s18 =	sld [smem:$0x3FFB];
	_ =	sdelay $0x3  }
0x92: {  	_ =	strace s18  }
0x93: {  	s3 =	sld [smem:$0x3FFC];
	_ =	sdelay $0x3  }
0x94: {  	_ =	strace s3  }
0x95: {  	s3 =	sld [smem:$0x3FFD];
	_ =	sdelay $0x3  }
0x96: {  	_ =	strace s3  }
0x97: {  	_ =	strace $0x8FFFFFFF  }
0x98: {  	s19 =	sld [smem:$0x3FDB];
	_ =	sdelay $0x1  }
0x99: {  	s4 =	simm.s32 $_scs_section_size  }
0x9a: {  	s5 =	simm.s32 $_size__tile_overlayer_lowered;
	s6 =	simm.s32 $_tile_overlayer_lowered  }
0x9b: {  	s22 =	simm.s32 $0x1BFF;
	s21 =	sshll.u32 s6, $0x1;
	s3 =	sadd.s32 s4, s19  }
0x9c: {  	s7 =	simm.s32 $0x0;
	s20 =	sshll.u32 s5, $0x1;
	s5 =	sadd.s32 s21, s3  }
0x9d: {  	[timem:s7], [sflag:s22] =	dma.local [hbm:s5], s20  }
0x9e: {  	_ =	swait.ge [sflag:s22], s20  }
0x9f: {  	s4 =	ssub.s32 $0x0, s20;
	[sflag:s22] =	ssyncset.done $0x0  }
0xa0: {  	[sflag:s22] =	ssyncadd.s32 s4;
	_ =	sdelay $0x1  }
0xa1: {  	s23 =	simm.s32 $0x1B8B  }
0xa2: {  	_ =	swait.ge [sflag:s23], $0x1  }
0xa3: {  	[sflag:s23] =	ssyncset.done $0x0  }
0xa4: {  	s25 =	simm.s32 $0x1B8E;
	s24 =	sld [smem:$0x3FFE];
	[sflag:s23] =	ssyncadd.s32 $0xFFFFFFFF  }
0xa5: {  	s26 =	simm.s32 $execute0_lowered;
	[smem:$0x3FD2] =	sst s25  }
0xa6: {  	s5 =	sshll.u32 s26, $0x1;
	_ =	strace $0x80000046;
	[dreg:$0x1] =	wrdreg $0xFFFFFFFF  }
0xa7: {  	s28 =	simm.s32 $_size_execute0_lowered;
	s3 =	sadd.s32 s3, s5;
	[dreg:$0x0] =	wrdreg $0x0  }
0xa8: {  	s5 =	sshll.u32 s28, $0x1;
	[dreg:$0x2] =	wrdreg s3  }
0xa9: {  	[dreg:$0x3] =	wrdreg s5  }
0xaa: {  	[dreg:$0x4] =	wrdreg $0xC0  }
0xab: {  	_ =	task [dreg:s7], $0x5FFFF  }
0xac: {  	[dreg:$0x1] =	wrdreg $0xFFFFFFFF  }
0xad: {  	[dreg:$0x0] =	wrdreg $0x60  }
0xae: {  	[dreg:$0x2] =	wrdreg s24  }
0xaf: {  	[dreg:$0x3] =	wrdreg s2  }
0xb0: {  	[dreg:$0x4] =	wrdreg $0x40800  }
0xb1: {  	[dreg:$0x5] =	wrdreg $0x9  }
0xb2: {  	_ =	task.clear_ibuf [dreg:s7], $0x6FFFF;
	_ =	strace $0x90000046  }
0xb3: {  	s29 =	simm.s32 $0x9;
	_ =	strace $0x80000048  }
0xb4: {  	_ =	swait.ge [sflag:s29], $0x1  }
0xb5: {  	[sflag:s29] =	ssyncadd.s32 $0xFFFFFFFF  }
0xb6: {  	_ =	strace $0x90000048  }
0xb7: {  	_ =	sfence  }
0xb8: {  	s30 =	sld [smem:$0x0];
	_ =	sdelay $0x2  }
0xb9: {  	s31 =	sshll.u32 s1, $0xD;
	s1 =	sshrl.u32 s1, $0x2  }
0xba: {  	s3 =	sand.u32 $0x4000, s31;
	s1 =	sadd.s32 s1, s30  }
0xbb: {  	s0 =	sor.u32 s3, s0;
	s1 =	sshll.u32 s1, $0x11  }
0xbc: {  	s0 =	sor.u32 s1, s0  }
0xbd: {  	s0 =	sadd.s32 $0x8F2B, s0  }
0xbe: {  	[sflag:s0] =	ssyncadd.remote.s32 $0x1  }
0xbf: {  	_ =	sfence.sel $0xFFFF  }
0xc0: {  	[dreg:$0x0] =	wrdreg $0xFFFFFFFF;
	(pc) =	sbr.abs _section_cstart, $3  }
0xc1: {  	[dreg:$0x1] =	wrdreg $0xFFFFFFFF  }
0xc2: {  	_ =	task.clear_ibuf [dreg:s7], $0x2FFFF;
	_ =	strace $0x9FFFFFFF  }
0xc3: {  	(tm) =	ssettm $0x7FFFFFFF  }
tec
execute0_lowered:
.L_overlay_start_1:
0x0: {  	(tag) =	ssettag $0x1  }
0x1: {  	s0 =	srdreg.scid;
	s6 =	rddreg [dreg:$0x0]  }
0x2: {  	s2 =	rddreg [dreg:$0x1];
	s7 =	sand.u32 $0x1, s0  }
0x3: {  	s0 =	stileid.u32;
	s5 =	smul.u32 $0x14000, s7  }
0x4: {  	s3 =	rddreg [dreg:$0x2];
	s8 =	smul.u32 $0x1400, s0  }
0x5: {  	s1 =	rddreg [dreg:$0x3];
	s4 =	simm.s32 $0x0;
	s9 =	smul.u32 $0x140000, s7  }
0x6: {  	s17 =	simm.s32 $0x0;
	[smem:$0x7FF] =	sst s4;
	s10 =	smul.u32 $0x14000, s0  }
0x7: {  	_ =	strace $0x80000047;
	s30 =	smul.u32 $0x50000, s0;
	s31 =	ssub.s32 $0x2, s7  }
0x8: {  	s11 =	sshll.u32 s0, $0x6;
	s7 =	sshrl.u32 s31, $0x1;
	s5 =	sadd.s32 s8, s5  }
0x9: {  	s28 =	sadd.s32 s10, s9;
	s10 =	sshrl.u32 s30, $0x2;
	s12 =	ssub.s32 s31, s7  }
0xa: {  	s5 =	sshrl.u32 s5, $0x3;
	s8 =	sshrl.u32 s28, $0x3;
	s10 =	sadd.s32 s10, s3  }
0xb: {  	s29 =	sadd.s32 s5, s6;
	s5 =	sadd.s32 $0x7800, s6;
	s8 =	sadd.s32 s8, s6  }
0xc: {  	s6 =	sor.u32 $0x1C01, s11;
	s13 =	sadd.s32 $0x4000, s10;
	s14 =	sadd.s32 $0x8000, s10  }
0xd: {  	s15 =	sadd.s32 $0xC000, s10;
	s16 =	sadd.s32 $0x10000, s10;
	s10 =	sshrl.u32 s10, $0x3  }
0xe: {  	s11 =	simm.s32 $0x1;
	s7 =	sadd.s32 $0x8000, s8;
	s8 =	smax.u32 s12, $0x1  }
0xf: {  	s9 =	sadd.s32 $0x2800, s29;
	s12 =	sshrl.u32 s13, $0x3;
	s13 =	sshrl.u32 s14, $0x3  }
0x10: {  	s14 =	sshrl.u32 s15, $0x3;
	s15 =	sshrl.u32 s16, $0x3;
	s16 =	simm.s32 $0x80  }
.LBB2_1:
0x11: {  	[spmem:s10], [sflag:s6] =	dma.local [hbm:s5], $0x800  }
0x12: {  	_ =	swait.ge [sflag:s11], $0x800  }
0x13: {  	[sflag:s11] =	ssyncset.done $0x0  }
0x14: {  	[sflag:s11] =	ssyncadd.s32 $0xFFFFF800  }
0x15: {  	[spmem:s12], [sflag:s6] =	dma.local [hbm:s5], $0x800  }
0x16: {  	_ =	swait.ge [sflag:s11], $0x800  }
0x17: {  	[sflag:s11] =	ssyncset.done $0x0  }
0x18: {  	[sflag:s11] =	ssyncadd.s32 $0xFFFFF800  }
0x19: {  	[spmem:s13], [sflag:s6] =	dma.local [hbm:s5], $0x800  }
0x1a: {  	_ =	swait.ge [sflag:s11], $0x800  }
0x1b: {  	[sflag:s11] =	ssyncset.done $0x0  }
0x1c: {  	[sflag:s11] =	ssyncadd.s32 $0xFFFFF800  }
0x1d: {  	[spmem:s14], [sflag:s6] =	dma.local [hbm:s5], $0x800  }
0x1e: {  	_ =	swait.ge [sflag:s11], $0x800  }
0x1f: {  	[sflag:s11] =	ssyncset.done $0x0  }
0x20: {  	[sflag:s11] =	ssyncadd.s32 $0xFFFFF800  }
0x21: {  	[spmem:s15], [sflag:s6] =	dma.local [hbm:s5], $0x800  }
0x22: {  	_ =	swait.ge [sflag:s11], $0x800  }
0x23: {  	[sflag:s11] =	ssyncset.done $0x0  }
0x24: {  	[sflag:s11] =	ssyncadd.s32 $0xFFFFF800  }
0x25: {  	[tilespmem:s16], [sflag:$0x1] =	stream.linear.gather [hbm4b:s2+s4], $0x4000, $0x38;
	[tilespmem:$0x18080] =	vst v63  }
0x26: {  	_ =	swait.ge [sflag:s11], $0x4000  }
0x27: {  	[sflag:s11] =	ssyncset.done $0x0  }
0x28: {  	[sflag:s11] =	ssyncadd.s32 $0xFFFFC000  }
0x29: {  	s18 =	sadd.s32 $0x0, s9;
	[bflag:$0x0] =	sbarrier.arrive $0xFFFF  }
0x2a: {  	[tilespmem:s4], [sflag:$0x1] =	stream.linear.gather [hbm4b:s18+s4], $0x80, $0x38;
	[tilespmem:$0x18080] =	vst v63  }
0x2b: {  	_ =	swait.ge [sflag:s11], $0x80  }
0x2c: {  	[sflag:s11] =	ssyncset.done $0x0  }
0x2d: {  	[sflag:s11] =	ssyncadd.s32 $0xFFFFFF80  }
0x2e: {  	[spmem:s3] =	stream.indirect.scatter.add.f32 [tilespmem:s16], [sflag:$0x1], $0x80, s4, s16, $0xb8;
	[tilespmem:$0x18080] =	vst v63  }
0x2f: {  	_ =	swait.ge [sflag:s11], $0x4000  }
0x30: {  	s19 =	simm.s32 $0x20;
	s18 =	simm.s32 $0x10;
	[sflag:s11] =	ssyncset.done $0x0  }
.LBB2_2:
0x31: {  	s20 =	sadd.s32 s18, s9  }
0x32: {  	[sflag:s11] =	ssyncadd.s32 $0xFFFFC000;
	s18 =	smov.u32 s19;
	s21 =	sadd.s32 $0x10, s19  }
0x33: {  	[tilespmem:s4], [sflag:$0x1] =	stream.linear.gather [hbm4b:s20+s4], $0x80, $0x38;
	[tilespmem:$0x18080] =	vst v63  }
0x34: {  	p0 =	sne.s32 s19, $0x270;
	_ =	swait.ge [sflag:s11], $0x80  }
.Ltmp0:
0x35: {  	[sflag:s11] =	ssyncset.done $0x0;
	(pc) =	sbr.rel @p0 .LBB2_2-.Ltmp0, $4  }
0x36: {  	[sflag:s11] =	ssyncadd.s32 $0xFFFFFF80  }
0x37: {  	[spmem:s3] =	stream.indirect.scatter.add.f32 [tilespmem:s16], [sflag:$0x1], $0x80, s4, s16, $0xb8;
	[tilespmem:$0x18080] =	vst v63  }
0x38: {  	_ =	swait.ge [sflag:s11], $0x4000  }
0x39: {  	s19 =	smov.u32 s21;
	[sflag:s11] =	ssyncset.done $0x0  }
0x3a: {  	s18 =	sadd.s32 s18, s9;
	[sflag:s11] =	ssyncadd.s32 $0xFFFFC000  }
0x3b: {  	[tilespmem:s4], [sflag:$0x1] =	stream.linear.gather [hbm4b:s18+s4], $0x80, $0x38;
	[tilespmem:$0x18080] =	vst v63  }
0x3c: {  	_ =	swait.ge [sflag:s11], $0x80  }
0x3d: {  	[sflag:s11] =	ssyncset.done $0x0  }
0x3e: {  	[sflag:s11] =	ssyncadd.s32 $0xFFFFFF80  }
0x3f: {  	[spmem:s3] =	stream.indirect.scatter.add.f32 [tilespmem:s16], [sflag:$0x1], $0x80, s4, s16, $0xb8;
	[tilespmem:$0x18080] =	vst v63  }
0x40: {  	_ =	swait.ge [sflag:s11], $0x4000  }
0x41: {  	s17 =	sadd.s32 $0x1, s17;
	[sflag:s11] =	ssyncset.done $0x0  }
0x42: {  	p0 =	sne.s32 s17, s8;
	[sflag:s11] =	ssyncadd.s32 $0xFFFFC000  }
.Ltmp1:
0x43: {  	[bflag:$0x0] =	sbarrier.arrive $0xFFFF;
	(pc) =	sbr.rel @p0 .LBB2_1-.Ltmp1, $4  }
0x44: {  	[hbm:s7], [sflag:s6] =	dma.local [spmem:s10], $0x2800  }
0x45: {  	_ =	swait.ge [sflag:s11], $0x2800  }
0x46: {  	[sflag:s11] =	ssyncset.done $0x0  }
0x47: {  	[sflag:s11] =	ssyncadd.s32 $0xFFFFD800  }
0x48: {  	_ =	sfence.sel $0x180000  }
0x49: {  	[bflag:$0x0] =	sbarrier.arrive $0xFFFF  }
0x4a: {  	p0 =	sne.s32 s0, $0x0;
	_ =	strace $0x90000047  }
0x4b: {  	s0 =	sadd.s32 @!p0 $0x100000, s1;
	[bflag:$0x2] =	sbarrier.arrive $0xFFFF  }
0x4c: {  	[sflag:s0] =	ssyncadd.tile.s32 @!p0 $0x1;
	_ =	shalt  }
.Lfunc_end2:
_tile_overlayer_lowered:
.L_overlay_start_2:
0x4d: {  	(tag) =	ssettag $0x2  }
0x4e: {  	s0 =	rddreg [dreg:$0x0];
	s2 =	stileid.u32  }
0x4f: {  	s1 =	rddreg [dreg:$0x1];
	p0 =	sne.s32 s2, $0x0  }
0x50: {  	s3 =	rddreg [dreg:$0x2];
	[bflag:$0x3] =	sbarrier.arrive $0xFFFF;
	s2 =	simm.s32 @!p0 $0x1C01  }
0x51: {  	[timem:s3], [sflag:s2] =	dma.local @!p0 [hbm:s0], s1  }
0x52: {  	s0 =	simm.s32 @!p0 $0x1  }
0x53: {  	_ =	swait.ge @!p0 [sflag:s0], s1  }
0x54: {  	s1 =	ssub.s32 @!p0 $0x0, s1;
	[sflag:s0] =	ssyncset.done @!p0 $0x0  }
0x55: {  	[sflag:s0] =	ssyncadd.s32 @!p0 s1  }
0x56: {  	[bflag:$0x3] =	sbarrier.arrive $0xFFFF  }
0x57: {  	_ =	shalt  }

</sc_bundles>
